<compile_context>
chip_gen: v7x
topology: tpu7x:2x2x1
jax: 0.10.2.dev20260603
libtpu: 0.0.44.dev20260713+nightly
codegen_flags: <defaults>
</compile_context>

<pallas_src>
import dataclasses
import functools

import jax
import jax.numpy as jnp
from jax import lax
from jax.experimental import pallas as pl
from jax.experimental.pallas import tpu as pltpu
from jax.experimental.pallas import tpu_sc as plsc

OLD_TOKENS = 100000
NEW_TOKENS = 256
EMB = 128

_K_BLOCK = 4096
_K_STEPS = -(-OLD_TOKENS // _K_BLOCK)
_WIN = 256
_NSLOT = 4
_NW = 32
_DN = (((0,), (0,)), ((), ()))


def _sc_compiler_params():
    cp = pltpu.CompilerParams()
    if "needs_layout_passes" in pltpu.CompilerParams.__dataclass_fields__:
        cp = dataclasses.replace(cp, needs_layout_passes=False)
    return cp


def _mm_body(wt_ref, x_ref, b_ref, o_ref):
    k = pl.program_id(0)
    last = pl.num_programs(0) - 1

    @pl.when(k == 0)
    def _init():
        o_ref[...] = jnp.broadcast_to(b_ref[...], (NEW_TOKENS, EMB))

    @pl.when(k != last)
    def _full():
        o_ref[...] += lax.dot_general(wt_ref[...], x_ref[...], _DN,
                                      preferred_element_type=jnp.float32)

    @pl.when(k == last)
    def _masked():
        lim = OLD_TOKENS - last * _K_BLOCK
        rowid = lax.broadcasted_iota(jnp.int32, (_K_BLOCK, EMB), 0)
        x = jnp.where(rowid < lim, x_ref[...], 0.0)
        wrow = lax.broadcasted_iota(jnp.int32, (_K_BLOCK, NEW_TOKENS), 0)
        wt = jnp.where(wrow < lim, wt_ref[...], 0.0)
        o_ref[...] += lax.dot_general(wt, x, _DN,
                                      preferred_element_type=jnp.float32)


def _motion_rows(W, text_table, b):
    return pl.pallas_call(
        _mm_body,
        grid=(_K_STEPS,),
        in_specs=[
            pl.BlockSpec((_K_BLOCK, NEW_TOKENS), lambda k: (k, 0)),
            pl.BlockSpec((_K_BLOCK, EMB), lambda k: (k, 0)),
            pl.BlockSpec((NEW_TOKENS, 1), lambda k: (0, 0)),
        ],
        out_specs=pl.BlockSpec((NEW_TOKENS, EMB), lambda k: (0, 0)),
        out_shape=jax.ShapeDtypeStruct((NEW_TOKENS, EMB), jnp.float32),
    )(W.T, text_table, b.reshape(NEW_TOKENS, 1))


def _sc_gather(idx_flat, text_table):
    n = idx_flat.shape[0]
    per_w = n // _NW
    lst = per_w + 16
    idx2d = idx_flat.reshape(1, n)
    mesh = plsc.VectorSubcoreMesh(core_axis_name="c", subcore_axis_name="s")

    @functools.partial(
        pl.kernel,
        out_type=(
            jax.ShapeDtypeStruct((n, EMB), jnp.float32),
            jax.ShapeDtypeStruct((_NW, 16), jnp.int32),
            jax.ShapeDtypeStruct((_NW, lst), jnp.int32),
            jax.ShapeDtypeStruct((_NW, lst), jnp.int32),
        ),
        mesh=mesh,
        scratch_types=[
            pltpu.VMEM((lst,), jnp.int32),
            pltpu.VMEM((lst,), jnp.int32),
            pltpu.VMEM((16,), jnp.int32),
            pltpu.SMEM((1,), jnp.int32),
        ],
        compiler_params=_sc_compiler_params(),
    )
    def k(idx_hbm, table_hbm, out_hbm, cnt_hbm, pos_hbm, imin_hbm,
          pos_v, imin_v, stage_v, cnt_s):
        wid = lax.axis_index("s") * 2 + lax.axis_index("c")
        cnt_s[0] = 0

        def body(ids, i_vmem, o_vmem):
            pltpu.sync_copy(table_hbm.at[i_vmem.at[0]], o_vmem)
            w = ids[0]

            @pl.loop(0, _WIN, step=64)
            def _chunk(v0):
                acc = i_vmem[0, pl.ds(v0, 16)]
                for j in range(1, 4):
                    acc = jnp.maximum(acc, i_vmem[0, pl.ds(v0 + j * 16, 16)])

                @pl.when(jnp.any(acc >= OLD_TOKENS))
                def _rescan():
                    @pl.loop(0, 64, step=16)
                    def _vec(dv):
                        idx = i_vmem[0, pl.ds(v0 + dv, 16)]
                        mask = idx >= OLD_TOKENS

                        @pl.when(jnp.any(mask))
                        def _append():
                            iminus = jnp.where(mask, idx - OLD_TOKENS, 0)
                            rowpos = (jnp.full((16,), w * _WIN, jnp.int32)
                                      + v0 + dv + lax.iota(jnp.int32, 16))
                            cnt = cnt_s[0]
                            plsc.store_compressed(pos_v.at[pl.ds(cnt, 16)],
                                                  rowpos, mask=mask)
                            plsc.store_compressed(imin_v.at[pl.ds(cnt, 16)],
                                                  iminus, mask=mask)
                            nhit = jnp.max(
                                plsc.all_reduce_population_count(mask))
                            cnt_s[0] = cnt + nhit

        pltpu.emit_pipeline(
            body,
            grid=(n // _WIN,),
            in_specs=[pl.BlockSpec((1, _WIN), lambda i: (0, i))],
            out_specs=[pl.BlockSpec((_WIN, EMB), lambda i: (i, 0))],
            core_axis_name=("c", "s"),
            dimension_semantics=(pltpu.PARALLEL,),
            _explicit_indices=True,
        )(idx_hbm, out_hbm)

        stage_v[...] = jnp.full((16,), cnt_s[0], jnp.int32)
        pltpu.sync_copy(stage_v, cnt_hbm.at[wid])
        pltpu.sync_copy(pos_v, pos_hbm.at[wid])
        pltpu.sync_copy(imin_v, imin_hbm.at[wid])

    return k(idx2d, text_table)


def _sc_fixup(out_flat, cnts, poss, imins, motion):
    n = out_flat.shape[0]
    lst = poss.shape[1]
    mesh = plsc.VectorSubcoreMesh(core_axis_name="c", subcore_axis_name="s")

    @pl.run_state
    def _apply(refs):
        out_ref, cnt_ref, pos_ref, imin_ref, motion_ref = refs

        @pl.core_map(mesh, compiler_params=_sc_compiler_params())
        def _():
            wid = lax.axis_index("s") * 2 + lax.axis_index("c")

            def scoped(pos_v, imin_v, cntv, rows_v, sem, ssems):
                pltpu.async_copy(cnt_ref.at[wid], cntv, sem).wait()
                cnt = jnp.max(cntv[...])

                @pl.when(cnt > 0)
                def _load():
                    pltpu.async_copy(pos_ref.at[wid], pos_v, sem).wait()
                    pltpu.async_copy(imin_ref.at[wid], imin_v, sem).wait()

                @pl.loop(0, cnt, step=16)
                def _block(s0):
                    @pl.when(s0 < cnt)
                    def _proc():
                        pos = pos_v[pl.ds(s0, 16)]
                        imin = imin_v[pl.ds(s0, 16)]
                        valid = lax.iota(jnp.int32, 16) < (cnt - s0)
                        packed = jnp.where(valid, pos * 512 + imin,
                                           jnp.int32(2**30))
                        first = jnp.min(packed)
                        pos = jnp.where(valid, pos, first >> 9)
                        imin = jnp.where(valid, imin, first & 511)
                        slot = lax.rem(lax.div(s0, 16), _NSLOT)

                        @pl.when(s0 >= 16 * _NSLOT)
                        def _reuse():
                            pltpu.make_async_copy(
                                motion_ref.at[imin], rows_v.at[slot],
                                ssems.at[slot]).wait()

                        pltpu.async_copy(motion_ref.at[imin],
                                         rows_v.at[slot], sem).wait()
                        pltpu.async_copy(rows_v.at[slot], out_ref.at[pos],
                                         ssems.at[slot])

                @pl.loop(0, _NSLOT)
                def _final(s):
                    @pl.when(cnt > s * 16)
                    def _():
                        pltpu.make_async_copy(
                            motion_ref.at[pl.ds(0, 16)], rows_v.at[s],
                            ssems.at[s]).wait()

            pl.run_scoped(
                scoped,
                pltpu.VMEM((lst,), jnp.int32),
                pltpu.VMEM((lst,), jnp.int32),
                pltpu.VMEM((16,), jnp.int32),
                pltpu.VMEM((_NSLOT, 16, EMB), jnp.float32),
                pltpu.SemaphoreType.DMA,
                pltpu.SemaphoreType.DMA((_NSLOT,)),
            )

    out2, _, _, _, _ = _apply((out_flat, cnts, poss, imins, motion))
    return out2


def kernel(indices, text_table, W, b):
    batch, seq = indices.shape
    idx_t = indices.astype(jnp.int32).T.reshape(batch * seq)
    gathered, cnts, poss, imins = _sc_gather(idx_t, text_table)
    motion = _motion_rows(W, text_table, b)
    out = _sc_fixup(gathered, cnts, poss, imins, motion)
    return out.reshape(seq, batch, EMB).transpose(1, 0, 2)

# --- scband reference (transcript-rebuilt; emitter-appended) ---
"""Pipeline reference for scband-new-token-emb-90331752170282 (READ-ONLY COPY).

The authoritative reference and input builder live on the scoring server;
editing this copy changes nothing except your own understanding.
"""

import jax, jax.numpy as jnp
import numpy as np

OLD_NUM_TOKENS = 100000
NEW_NUM_TOKENS = 256
NUM_TOKENS = OLD_NUM_TOKENS + NEW_NUM_TOKENS
EMB_DIM = 128
BATCH = 4096
SEQ = 50


def setup_inputs(seed: int = 0) -> dict:
    key = jax.random.key(seed)
    k1, k2, k3, k4 = jax.random.split(key, 4)
    # forward arg: token indices over the extended vocab
    indices = jax.random.randint(k1, (BATCH, SEQ), 0, NUM_TOKENS, dtype=jnp.int64 if jax.config.jax_enable_x64 else jnp.int32)
    # text_embeddings.weight: first OLD rows copied from pretrained, last NEW rows zero (frozen)
    text_table = jax.random.normal(k2, (NUM_TOKENS, EMB_DIM), dtype=jnp.float32) * 0.02
    text_table = text_table.at[OLD_NUM_TOKENS:].set(0.0)
    # word2motionProj: nn.Linear(OLD_NUM_TOKENS, NEW_NUM_TOKENS)
    bound = 1.0 / np.sqrt(OLD_NUM_TOKENS)
    W = jax.random.uniform(k3, (NEW_NUM_TOKENS, OLD_NUM_TOKENS), jnp.float32, -bound, bound)
    b = jax.random.uniform(k4, (NEW_NUM_TOKENS,), jnp.float32, -bound, bound)
    return {"indices": indices, "text_table": text_table, "W": W, "b": b}


def reference(indices, text_table, W, b):
    # word2motionProj(text_table[:OLD].T): x @ W.T + b, x = [EMB_DIM, OLD]
    proj = text_table[:OLD_NUM_TOKENS].T @ W.T + b           # [EMB_DIM, NEW]
    motion_rows = proj.T                                      # [NEW, EMB_DIM] (the .permute(1,0))
    # motion_embeddings.weight: first OLD rows forced to zero each forward,
    # last NEW rows overwritten by projection (table fully determined by W,b,text_table)
    motion_table = jnp.concatenate(
        [jnp.zeros((OLD_NUM_TOKENS, EMB_DIM), dtype=text_table.dtype), motion_rows], axis=0
    )                                                         # [NUM_TOKENS, EMB_DIM]
    return jnp.take(text_table, indices, axis=0) + jnp.take(motion_table, indices, axis=0)

if __name__ == "__main__":
    import jax
    _d = setup_inputs()
    print(jax.jit(kernel)(*tuple(_d.values())))

</pallas_src>

<mosaic_0001>
#map = affine_map<(d0, d1) -> (0, 0)>
module attributes {stable_mosaic.version = 14 : i64} {
  func.func @k(%arg0: i32, %arg1: i32, %arg2: memref<1x204800xi32, #tpu.memory_space<hbm>>, %arg3: memref<100256x128xf32, #tpu.memory_space<hbm>>, %arg4: memref<204800x128xf32, #tpu.memory_space<hbm>>, %arg5: memref<32x16xi32, #tpu.memory_space<hbm>>, %arg6: memref<32x6416xi32, #tpu.memory_space<hbm>>, %arg7: memref<32x6416xi32, #tpu.memory_space<hbm>>, %arg8: memref<6416xi32, #tpu.memory_space<vmem>>, %arg9: memref<6416xi32, #tpu.memory_space<vmem>>, %arg10: memref<16xi32, #tpu.memory_space<vmem>>, %arg11: memref<1xi32, #tpu.memory_space<smem>>) attributes {dimension_semantics = [#tpu.dimension_semantics<core_parallel>, #tpu.dimension_semantics<subcore_parallel>], iteration_bounds = array<i64: 2, 16>, scalar_prefetch = 0 : i64, scratch_operands = 4 : i64, tpu.core_type = #tpu.core_type<sc_vector_subcore>, window_params = [{transform_indices = #map}, {transform_indices = #map}, {transform_indices = #map}, {transform_indices = #map}, {transform_indices = #map}, {transform_indices = #map}]} {
    %mul3A = arith.constant 2 : i32
    %mul3A_0 = arith.muli %arg1, %mul3A : i32
    %add3A = arith.addi %mul3A_0, %arg0 : i32
    %swap3A = arith.constant 0 : i32
    %swap3A_1 = arith.constant 0 : i32
    %swap3A_2 = arith.index_cast %swap3A_1 : i32 to index
    %swap3A_3 = memref.load %arg11[%swap3A_2] : memref<1xi32, #tpu.memory_space<smem>>
    memref.store %swap3A, %arg11[%swap3A_2] : memref<1xi32, #tpu.memory_space<smem>>
    %mul3A_4 = arith.constant 1 : i32
    %mul3A_5 = arith.muli %arg1, %mul3A_4 : i32
    %add3A_6 = arith.constant 0 : i32
    %add3A_7 = arith.addi %add3A_6, %mul3A_5 : i32
    %mul3A_8 = arith.constant 16 : i32
    %mul3A_9 = arith.muli %arg0, %mul3A_8 : i32
    %add3A_10 = arith.addi %add3A_7, %mul3A_9 : i32
    %mul3A_11 = arith.constant 25 : i32
    %mul3A_12 = arith.muli %add3A_10, %mul3A_11 : i32
    "tpu.region"() ({
      %run_scoped3A = memref.alloca() : memref<2x1x256xi32, #tpu.memory_space<vmem>>
      %run_scoped3A_17 = tpu.sem_alloc : memref<2x!tpu.dma_semaphore, #tpu.memory_space<semaphore_mem>>
      %run_scoped3A_18 = memref.alloca() : memref<2x256x128xf32, #tpu.memory_space<vmem>>
      %run_scoped3A_19 = tpu.sem_alloc : memref<2x!tpu.dma_semaphore, #tpu.memory_space<semaphore_mem>>
      %add3A_20 = arith.constant 0 : i32
      %add3A_21 = arith.addi %add3A_20, %mul3A_12 : i32
      %select_n3A = arith.constant true
      %select_n3A_22 = arith.constant 0 : i32
      %select_n3A_23 = arith.constant -1 : i32
      %select_n3A_24 = arith.select %select_n3A, %select_n3A_23, %select_n3A_22 : i32
      %eq3A = arith.constant -1 : i32
      %eq3A_25 = arith.cmpi eq, %select_n3A_24, %eq3A : i32
      %select_n3A_26 = arith.constant 24 : i32
      %select_n3A_27 = arith.select %eq3A_25, %select_n3A_26, %select_n3A_24 : i32
      %add3A_28 = arith.addi %select_n3A_27, %mul3A_12 : i32
      %select_n3A_29 = arith.constant true
      %select_n3A_30 = arith.constant 0 : i32
      %select_n3A_31 = arith.constant 1 : i32
      %select_n3A_32 = arith.select %select_n3A_29, %select_n3A_31, %select_n3A_30 : i32
      %eq3A_33 = arith.constant 25 : i32
      %eq3A_34 = arith.cmpi eq, %select_n3A_32, %eq3A_33 : i32
      %select_n3A_35 = arith.constant 0 : i32
      %select_n3A_36 = arith.select %eq3A_34, %select_n3A_35, %select_n3A_32 : i32
      %add3A_37 = arith.addi %select_n3A_36, %mul3A_12 : i32
      %add3A_38 = arith.constant 1 : i32
      %add3A_39 = arith.addi %select_n3A_36, %add3A_38 : i32
      %select_n3A_40 = arith.constant true
      %select_n3A_41 = arith.select %select_n3A_40, %add3A_39, %select_n3A_36 : i32
      %eq3A_42 = arith.constant 25 : i32
      %eq3A_43 = arith.cmpi eq, %select_n3A_41, %eq3A_42 : i32
      %select_n3A_44 = arith.constant 0 : i32
      %select_n3A_45 = arith.select %eq3A_43, %select_n3A_44, %select_n3A_41 : i32
      %add3A_46 = arith.addi %select_n3A_45, %mul3A_12 : i32
      "tpu.trace_start"() <{level = 10 : i32, message = "ep_initialize_0"}> : () -> ()
      %rem3A = arith.constant 0 : i32
      %rem3A_47 = arith.constant 2 : i32
      %rem3A_48 = arith.remui %rem3A, %rem3A_47 : i32
      %mul3A_49 = arith.constant 256 : i32
      %mul3A_50 = arith.muli %mul3A_49, %add3A_21 : i32
      %dma_start3A = arith.constant 0 : i32
      %dma_start3A_51 = arith.constant 0 : i32
      %dma_start3A_52 = tpu.memref_slice %run_scoped3A[%rem3A_48, %dma_start3A, %dma_start3A_51] : memref<2x1x256xi32, #tpu.memory_space<vmem>> -> memref<1x1x256xi32, #tpu.memory_space<vmem>>
      %dma_start3A_53 = tpu.memref_squeeze %dma_start3A_52 : memref<1x1x256xi32, #tpu.memory_space<vmem>> -> memref<1x256xi32, #tpu.memory_space<vmem>>
      %dma_start3A_54 = arith.constant 0 : i32
      %dma_start3A_55 = tpu.memref_slice %arg2[%dma_start3A_54, %mul3A_50] : memref<1x204800xi32, #tpu.memory_space<hbm>> -> memref<1x256xi32, #tpu.memory_space<hbm>>
      %dma_start3A_56 = tpu.memref_slice %run_scoped3A_17[%rem3A_48] : memref<2x!tpu.dma_semaphore, #tpu.memory_space<semaphore_mem>> -> memref<1x!tpu.dma_semaphore, #tpu.memory_space<semaphore_mem>>
      %dma_start3A_57 = tpu.memref_squeeze %dma_start3A_56 : memref<1x!tpu.dma_semaphore, #tpu.memory_space<semaphore_mem>> -> memref<!tpu.dma_semaphore, #tpu.memory_space<semaphore_mem>>
      %dma_start3A_58 = arith.constant 0 : i32
      %dma_start3A_59 = arith.constant 0 : i32
      %dma_start3A_60 = tpu.memref_slice %run_scoped3A[%rem3A_48, %dma_start3A_58, %dma_start3A_59] : memref<2x1x256xi32, #tpu.memory_space<vmem>> -> memref<1x1x256xi32, #tpu.memory_space<vmem>>
      %dma_start3A_61 = tpu.memref_squeeze %dma_start3A_60 : memref<1x1x256xi32, #tpu.memory_space<vmem>> -> memref<1x256xi32, #tpu.memory_space<vmem>>
      %dma_start3A_62 = arith.constant 0 : i32
      %dma_start3A_63 = tpu.memref_slice %arg2[%dma_start3A_62, %mul3A_50] : memref<1x204800xi32, #tpu.memory_space<hbm>> -> memref<1x256xi32, #tpu.memory_space<hbm>>
      tpu.enqueue_dma source(%dma_start3A_63 : memref<1x256xi32, #tpu.memory_space<hbm>>) target(%dma_start3A_61 : memref<1x256xi32, #tpu.memory_space<vmem>>) target_semaphore(%dma_start3A_57 : memref<!tpu.dma_semaphore, #tpu.memory_space<semaphore_mem>>)
      %add3A_64 = arith.constant 0 : i32
      %add3A_65 = arith.constant 1 : i32
      %add3A_66 = arith.addi %add3A_64, %add3A_65 : i32
      %select_n3A_67 = arith.constant true
      %select_n3A_68 = arith.constant 0 : i32
      %select_n3A_69 = arith.select %select_n3A_67, %add3A_66, %select_n3A_68 : i32
      "tpu.trace_stop"() : () -> ()
      %scan3A = arith.constant 0 : i32
      %scan3A_70 = arith.constant 0 : i32
      %scan3A_71 = arith.constant 0 : i32
      %scan3A_72 = arith.constant 0 : i32
      %scan3A_73 = arith.constant 0 : i32
      %scan3A_74 = arith.constant 25 : i32
      %scan3A_75 = arith.addi %scan3A_73, %scan3A_74 : i32
      %scan3A_76 = arith.constant 1 : i32
      %scan3A_77:5 = scf.for %scan3A_131 = %scan3A_73 to %scan3A_75 step %scan3A_76 iter_args(%scan3A_132 = %select_n3A_69, %scan3A_133 = %scan3A, %scan3A_134 = %scan3A_70, %scan3A_135 = %scan3A_71, %scan3A_136 = %scan3A_72) -> (i32, i32, i32, i32, i32)  : i32 {
        %eq3A_137 = arith.constant 0 : i32
        %eq3A_138 = arith.cmpi eq, %scan3A_131, %eq3A_137 : i32
        %eq3A_139 = arith.constant 24 : i32
        %eq3A_140 = arith.cmpi eq, %scan3A_131, %eq3A_139 : i32
        %add3A_141 = arith.addi %scan3A_136, %mul3A_12 : i32
        %sub3A_142 = arith.constant 1 : i32
        %sub3A_143 = arith.subi %scan3A_136, %sub3A_142 : i32
        %select_n3A_144 = arith.constant true
        %select_n3A_145 = arith.select %select_n3A_144, %sub3A_143, %scan3A_136 : i32
        %eq3A_146 = arith.constant -1 : i32
        %eq3A_147 = arith.cmpi eq, %select_n3A_145, %eq3A_146 : i32
        %select_n3A_148 = arith.constant 24 : i32
        %select_n3A_149 = arith.select %eq3A_147, %select_n3A_148, %select_n3A_145 : i32
        %add3A_150 = arith.addi %select_n3A_149, %mul3A_12 : i32
        %add3A_151 = arith.constant 1 : i32
        %add3A_152 = arith.addi %scan3A_136, %add3A_151 : i32
        %select_n3A_153 = arith.constant true
        %select_n3A_154 = arith.select %select_n3A_153, %add3A_152, %scan3A_136 : i32
        %eq3A_155 = arith.constant 25 : i32
        %eq3A_156 = arith.cmpi eq, %select_n3A_154, %eq3A_155 : i32
        %select_n3A_157 = arith.constant 0 : i32
        %select_n3A_158 = arith.select %eq3A_156, %select_n3A_157, %select_n3A_154 : i32
        %add3A_159 = arith.addi %select_n3A_158, %mul3A_12 : i32
        %add3A_160 = arith.constant 1 : i32
        %add3A_161 = arith.addi %select_n3A_158, %add3A_160 : i32
        %select_n3A_162 = arith.constant true
        %select_n3A_163 = arith.select %select_n3A_162, %add3A_161, %select_n3A_158 : i32
        %eq3A_164 = arith.constant 25 : i32
        %eq3A_165 = arith.cmpi eq, %select_n3A_163, %eq3A_164 : i32
        %select_n3A_166 = arith.constant 0 : i32
        %select_n3A_167 = arith.select %eq3A_165, %select_n3A_166, %select_n3A_163 : i32
        %add3A_168 = arith.addi %select_n3A_167, %mul3A_12 : i32
        %ne3A = arith.cmpi ne, %add3A_141, %add3A_159 : i32
        %or3A = arith.constant false
        %or3A_169 = arith.ori %or3A, %ne3A : i1
        %ge3A = arith.constant 24 : i32
        %ge3A_170 = arith.cmpi sge, %scan3A_131, %ge3A : i32
        %not3A = arith.constant true
        %not3A_171 = arith.xori %ge3A_170, %not3A : i1
        %and3A = arith.andi %or3A_169, %not3A_171 : i1
        %convert_element_type3A = arith.extui %and3A : i1 to i32
        %cond3A = arith.constant 0 : i32
        %cond3A_172 = arith.cmpi ne, %convert_element_type3A, %cond3A : i32
        scf.if %cond3A_172 {
          "tpu.trace_start"() <{level = 10 : i32, message = "ep_copy_in"}> : () -> ()
          %rem3A_279 = arith.constant 2 : i32
          %rem3A_280 = arith.remui %scan3A_132, %rem3A_279 : i32
          %mul3A_281 = arith.constant 256 : i32
          %mul3A_282 = arith.muli %mul3A_281, %add3A_159 : i32
          %dma_start3A_283 = arith.constant 0 : i32
          %dma_start3A_284 = arith.constant 0 : i32
          %dma_start3A_285 = tpu.memref_slice %run_scoped3A[%rem3A_280, %dma_start3A_283, %dma_start3A_284] : memref<2x1x256xi32, #tpu.memory_space<vmem>> -> memref<1x1x256xi32, #tpu.memory_space<vmem>>
          %dma_start3A_286 = tpu.memref_squeeze %dma_start3A_285 : memref<1x1x256xi32, #tpu.memory_space<vmem>> -> memref<1x256xi32, #tpu.memory_space<vmem>>
          %dma_start3A_287 = arith.constant 0 : i32
          %dma_start3A_288 = tpu.memref_slice %arg2[%dma_start3A_287, %mul3A_282] : memref<1x204800xi32, #tpu.memory_space<hbm>> -> memref<1x256xi32, #tpu.memory_space<hbm>>
          %dma_start3A_289 = tpu.memref_slice %run_scoped3A_17[%rem3A_280] : memref<2x!tpu.dma_semaphore, #tpu.memory_space<semaphore_mem>> -> memref<1x!tpu.dma_semaphore, #tpu.memory_space<semaphore_mem>>
          %dma_start3A_290 = tpu.memref_squeeze %dma_start3A_289 : memref<1x!tpu.dma_semaphore, #tpu.memory_space<semaphore_mem>> -> memref<!tpu.dma_semaphore, #tpu.memory_space<semaphore_mem>>
          %dma_start3A_291 = arith.constant 0 : i32
          %dma_start3A_292 = arith.constant 0 : i32
          %dma_start3A_293 = tpu.memref_slice %run_scoped3A[%rem3A_280, %dma_start3A_291, %dma_start3A_292] : memref<2x1x256xi32, #tpu.memory_space<vmem>> -> memref<1x1x256xi32, #tpu.memory_space<vmem>>
          %dma_start3A_294 = tpu.memref_squeeze %dma_start3A_293 : memref<1x1x256xi32, #tpu.memory_space<vmem>> -> memref<1x256xi32, #tpu.memory_space<vmem>>
          %dma_start3A_295 = arith.constant 0 : i32
          %dma_start3A_296 = tpu.memref_slice %arg2[%dma_start3A_295, %mul3A_282] : memref<1x204800xi32, #tpu.memory_space<hbm>> -> memref<1x256xi32, #tpu.memory_space<hbm>>
          tpu.enqueue_dma source(%dma_start3A_296 : memref<1x256xi32, #tpu.memory_space<hbm>>) target(%dma_start3A_294 : memref<1x256xi32, #tpu.memory_space<vmem>>) target_semaphore(%dma_start3A_290 : memref<!tpu.dma_semaphore, #tpu.memory_space<semaphore_mem>>)
          "tpu.trace_stop"() : () -> ()
        } else {
        }
        %and3A_173 = arith.constant true
        %and3A_174 = arith.andi %and3A, %and3A_173 : i1
        %add3A_175 = arith.constant 1 : i32
        %add3A_176 = arith.addi %scan3A_132, %add3A_175 : i32
        %select_n3A_177 = arith.select %and3A_174, %add3A_176, %scan3A_132 : i32
        %ne3A_178 = arith.cmpi ne, %add3A_141, %add3A_159 : i32
        %or3A_179 = arith.constant false
        %or3A_180 = arith.ori %or3A_179, %ne3A_178 : i1
        %or3A_181 = arith.constant false
        %or3A_182 = arith.ori %or3A_180, %or3A_181 : i1
        %ge3A_183 = arith.constant 24 : i32
        %ge3A_184 = arith.cmpi sge, %scan3A_131, %ge3A_183 : i32
        %not3A_185 = arith.constant true
        %not3A_186 = arith.xori %ge3A_184, %not3A_185 : i1
        %and3A_187 = arith.andi %or3A_182, %not3A_186 : i1
        %ne3A_188 = arith.cmpi ne, %add3A_141, %add3A_150 : i32
        %or3A_189 = arith.constant false
        %or3A_190 = arith.ori %or3A_189, %ne3A_188 : i1
        %or3A_191 = arith.ori %or3A_190, %eq3A_138 : i1
        %convert_element_type3A_192 = arith.extui %or3A_191 : i1 to i32
        %cond3A_193 = arith.constant 0 : i32
        %cond3A_194 = arith.cmpi ne, %convert_element_type3A_192, %cond3A_193 : i32
        scf.if %cond3A_194 {
          "tpu.trace_start"() <{level = 10 : i32, message = "ep_wait_in"}> : () -> ()
          %mul3A_279 = arith.constant 256 : i32
          %mul3A_280 = arith.muli %mul3A_279, %add3A_141 : i32
          %rem3A_281 = arith.constant 2 : i32
          %rem3A_282 = arith.remui %scan3A_133, %rem3A_281 : i32
          %dma_wait3A_283 = arith.constant 0 : i32
          %dma_wait3A_284 = arith.constant 0 : i32
          %dma_wait3A_285 = tpu.memref_slice %run_scoped3A[%rem3A_282, %dma_wait3A_283, %dma_wait3A_284] : memref<2x1x256xi32, #tpu.memory_space<vmem>> -> memref<1x1x256xi32, #tpu.memory_space<vmem>>
          %dma_wait3A_286 = tpu.memref_squeeze %dma_wait3A_285 : memref<1x1x256xi32, #tpu.memory_space<vmem>> -> memref<1x256xi32, #tpu.memory_space<vmem>>
          %dma_wait3A_287 = arith.constant 0 : i32
          %dma_wait3A_288 = tpu.memref_slice %arg2[%dma_wait3A_287, %mul3A_280] : memref<1x204800xi32, #tpu.memory_space<hbm>> -> memref<1x256xi32, #tpu.memory_space<hbm>>
          %dma_wait3A_289 = tpu.memref_slice %run_scoped3A_17[%rem3A_282] : memref<2x!tpu.dma_semaphore, #tpu.memory_space<semaphore_mem>> -> memref<1x!tpu.dma_semaphore, #tpu.memory_space<semaphore_mem>>
          %dma_wait3A_290 = tpu.memref_squeeze %dma_wait3A_289 : memref<1x!tpu.dma_semaphore, #tpu.memory_space<semaphore_mem>> -> memref<!tpu.dma_semaphore, #tpu.memory_space<semaphore_mem>>
          %dma_wait3A_291 = arith.constant 0 : i32
          %dma_wait3A_292 = arith.constant 0 : i32
          %dma_wait3A_293 = tpu.memref_slice %run_scoped3A[%rem3A_282, %dma_wait3A_291, %dma_wait3A_292] : memref<2x1x256xi32, #tpu.memory_space<vmem>> -> memref<1x1x256xi32, #tpu.memory_space<vmem>>
          %dma_wait3A_294 = tpu.memref_squeeze %dma_wait3A_293 : memref<1x1x256xi32, #tpu.memory_space<vmem>> -> memref<1x256xi32, #tpu.memory_space<vmem>>
          %dma_wait3A_295 = arith.constant 0 : i32
          %dma_wait3A_296 = tpu.memref_slice %arg2[%dma_wait3A_295, %mul3A_280] : memref<1x204800xi32, #tpu.memory_space<hbm>> -> memref<1x256xi32, #tpu.memory_space<hbm>>
          tpu.wait_dma2 semaphore(%dma_wait3A_290 : memref<!tpu.dma_semaphore, #tpu.memory_space<semaphore_mem>>) src(%dma_wait3A_296 : memref<1x256xi32, #tpu.memory_space<hbm>>) dst(%dma_wait3A_294 : memref<1x256xi32, #tpu.memory_space<vmem>>)
          "tpu.trace_stop"() : () -> ()
        } else {
        }
        %ne3A_195 = arith.cmpi ne, %add3A_141, %add3A_150 : i32
        %or3A_196 = arith.constant false
        %or3A_197 = arith.ori %or3A_196, %ne3A_195 : i1
        %or3A_198 = arith.constant false
        %or3A_199 = arith.ori %or3A_197, %or3A_198 : i1
        %or3A_200 = arith.ori %or3A_199, %eq3A_138 : i1
        %convert_element_type3A_201 = arith.extui %or3A_200 : i1 to i32
        %cond3A_202 = arith.constant 0 : i32
        %cond3A_203 = arith.cmpi ne, %convert_element_type3A_201, %cond3A_202 : i32
        scf.if %cond3A_203 {
        } else {
        }
        %rem3A_204 = arith.constant 2 : i32
        %rem3A_205 = arith.remui %scan3A_133, %rem3A_204 : i32
        %rem3A_206 = arith.constant 2 : i32
        %rem3A_207 = arith.remui %scan3A_134, %rem3A_206 : i32
        %run_scoped3A_208 = arith.constant 0 : i32
        "tpu.trace_start"() <{level = 10 : i32, message = "ep_run_kernel"}> : () -> ()
        "tpu.region"() ({
          %run_scoped3A_279 = tpu.sem_alloc : memref<!tpu.dma_semaphore, #tpu.memory_space<semaphore_mem>>
          %dma_start3A_280 = arith.constant 0 : i32
          %dma_start3A_281 = arith.constant 0 : i32
          %dma_start3A_282 = tpu.memref_slice %run_scoped3A_18[%rem3A_207, %dma_start3A_280, %dma_start3A_281] : memref<2x256x128xf32, #tpu.memory_space<vmem>> -> memref<1x256x128xf32, #tpu.memory_space<vmem>>
          %dma_start3A_283 = tpu.memref_squeeze %dma_start3A_282 : memref<1x256x128xf32, #tpu.memory_space<vmem>> -> memref<256x128xf32, #tpu.memory_space<vmem>>
          %dma_start3A_284 = arith.constant 0 : i32
          %dma_start3A_285 = arith.constant 0 : i32
          %dma_start3A_286 = tpu.memref_slice %run_scoped3A[%rem3A_205, %dma_start3A_284, %dma_start3A_285] : memref<2x1x256xi32, #tpu.memory_space<vmem>> -> memref<1x1x256xi32, #tpu.memory_space<vmem>>
          %dma_start3A_287 = tpu.memref_squeeze %dma_start3A_286 : memref<1x1x256xi32, #tpu.memory_space<vmem>> -> memref<1x256xi32, #tpu.memory_space<vmem>>
          %dma_start3A_288 = arith.constant 0 : i32
          %dma_start3A_289 = tpu.memref_slice %dma_start3A_287[%run_scoped3A_208, %dma_start3A_288] : memref<1x256xi32, #tpu.memory_space<vmem>> -> memref<1x256xi32, #tpu.memory_space<vmem>>
          %dma_start3A_290 = tpu.memref_squeeze %dma_start3A_289 : memref<1x256xi32, #tpu.memory_space<vmem>> -> memref<256xi32, #tpu.memory_space<vmem>>
          %dma_start3A_291 = arith.constant 0 : i32
          %dma_start3A_292 = arith.constant 0 : i32
          %dma_start3A_293 = tpu.memref_slice %arg3[%dma_start3A_291, %dma_start3A_292] : memref<100256x128xf32, #tpu.memory_space<hbm>> -> memref<100256x128xf32, #tpu.memory_space<hbm>>
          tpu.enqueue_indirect_dma source(%dma_start3A_293 : memref<100256x128xf32, #tpu.memory_space<hbm>>) target(%dma_start3A_283 : memref<256x128xf32, #tpu.memory_space<vmem>>) offsets(%dma_start3A_290 : memref<256xi32, #tpu.memory_space<vmem>>) semaphore(%run_scoped3A_279 : memref<!tpu.dma_semaphore, #tpu.memory_space<semaphore_mem>>)
          %dma_wait3A_294 = arith.constant 0 : i32
          %dma_wait3A_295 = arith.constant 0 : i32
          %dma_wait3A_296 = tpu.memref_slice %run_scoped3A_18[%rem3A_207, %dma_wait3A_294, %dma_wait3A_295] : memref<2x256x128xf32, #tpu.memory_space<vmem>> -> memref<1x256x128xf32, #tpu.memory_space<vmem>>
          %dma_wait3A_297 = tpu.memref_squeeze %dma_wait3A_296 : memref<1x256x128xf32, #tpu.memory_space<vmem>> -> memref<256x128xf32, #tpu.memory_space<vmem>>
          %dma_wait3A_298 = arith.constant 0 : i32
          %dma_wait3A_299 = arith.constant 0 : i32
          %dma_wait3A_300 = tpu.memref_slice %run_scoped3A[%rem3A_205, %dma_wait3A_298, %dma_wait3A_299] : memref<2x1x256xi32, #tpu.memory_space<vmem>> -> memref<1x1x256xi32, #tpu.memory_space<vmem>>
          %dma_wait3A_301 = tpu.memref_squeeze %dma_wait3A_300 : memref<1x1x256xi32, #tpu.memory_space<vmem>> -> memref<1x256xi32, #tpu.memory_space<vmem>>
          %dma_wait3A_302 = arith.constant 0 : i32
          %dma_wait3A_303 = tpu.memref_slice %dma_wait3A_301[%run_scoped3A_208, %dma_wait3A_302] : memref<1x256xi32, #tpu.memory_space<vmem>> -> memref<1x256xi32, #tpu.memory_space<vmem>>
          %dma_wait3A_304 = tpu.memref_squeeze %dma_wait3A_303 : memref<1x256xi32, #tpu.memory_space<vmem>> -> memref<256xi32, #tpu.memory_space<vmem>>
          %dma_wait3A_305 = arith.constant 0 : i32
          %dma_wait3A_306 = arith.constant 0 : i32
          %dma_wait3A_307 = tpu.memref_slice %arg3[%dma_wait3A_305, %dma_wait3A_306] : memref<100256x128xf32, #tpu.memory_space<hbm>> -> memref<100256x128xf32, #tpu.memory_space<hbm>>
          tpu.wait_indirect_dma semaphore(%run_scoped3A_279 : memref<!tpu.dma_semaphore, #tpu.memory_space<semaphore_mem>>) src(%dma_wait3A_307 : memref<100256x128xf32, #tpu.memory_space<hbm>>) dst(%dma_wait3A_297 : memref<256x128xf32, #tpu.memory_space<vmem>>)
          tpu.yield
        }) : () -> ()
        %scan3A_209 = arith.constant 0 : i32
        %scan3A_210 = arith.constant 4 : i32
        %scan3A_211 = arith.addi %scan3A_209, %scan3A_210 : i32
        %scan3A_212 = arith.constant 1 : i32
        scf.for %scan3A_279 = %scan3A_209 to %scan3A_211 step %scan3A_212  : i32 {
          %mul3A_280 = arith.constant 64 : i32
          %mul3A_281 = arith.muli %scan3A_279, %mul3A_280 : i32
          %add3A_282 = arith.constant 0 : i32
          %add3A_283 = arith.addi %add3A_282, %mul3A_281 : i32
          %get3A_284 = arith.constant 0 : i32
          %get3A_285 = arith.constant 0 : i32
          %get3A_286 = arith.constant 0 : i32
          %get3A_287 = tpu.memref_slice %run_scoped3A[%rem3A_205, %get3A_285, %get3A_286] : memref<2x1x256xi32, #tpu.memory_space<vmem>> -> memref<1x1x256xi32, #tpu.memory_space<vmem>>
          %get3A_288 = tpu.memref_squeeze %get3A_287 : memref<1x1x256xi32, #tpu.memory_space<vmem>> -> memref<1x256xi32, #tpu.memory_space<vmem>>
          %get3A_289 = arith.index_cast %get3A_284 : i32 to index
          %get3A_290 = arith.index_cast %add3A_283 : i32 to index
          %get3A_291 = tpu.vector_load %get3A_288[%get3A_289, %get3A_290] {strides = array<i32>} : memref<1x256xi32, #tpu.memory_space<vmem>>, vector<16xi32>,
          %add3A_292 = arith.constant 16 : i32
          %add3A_293 = arith.addi %add3A_283, %add3A_292 : i32
          %get3A_294 = arith.constant 0 : i32
          %get3A_295 = arith.constant 0 : i32
          %get3A_296 = arith.constant 0 : i32
          %get3A_297 = tpu.memref_slice %run_scoped3A[%rem3A_205, %get3A_295, %get3A_296] : memref<2x1x256xi32, #tpu.memory_space<vmem>> -> memref<1x1x256xi32, #tpu.memory_space<vmem>>
          %get3A_298 = tpu.memref_squeeze %get3A_297 : memref<1x1x256xi32, #tpu.memory_space<vmem>> -> memref<1x256xi32, #tpu.memory_space<vmem>>
          %get3A_299 = arith.index_cast %get3A_294 : i32 to index
          %get3A_300 = arith.index_cast %add3A_293 : i32 to index
          %get3A_301 = tpu.vector_load %get3A_298[%get3A_299, %get3A_300] {strides = array<i32>} : memref<1x256xi32, #tpu.memory_space<vmem>>, vector<16xi32>,
          %max3A = arith.maxsi %get3A_291, %get3A_301 : vector<16xi32>
          %add3A_302 = arith.constant 32 : i32
          %add3A_303 = arith.addi %add3A_283, %add3A_302 : i32
          %get3A_304 = arith.constant 0 : i32
          %get3A_305 = arith.constant 0 : i32
          %get3A_306 = arith.constant 0 : i32
          %get3A_307 = tpu.memref_slice %run_scoped3A[%rem3A_205, %get3A_305, %get3A_306] : memref<2x1x256xi32, #tpu.memory_space<vmem>> -> memref<1x1x256xi32, #tpu.memory_space<vmem>>
          %get3A_308 = tpu.memref_squeeze %get3A_307 : memref<1x1x256xi32, #tpu.memory_space<vmem>> -> memref<1x256xi32, #tpu.memory_space<vmem>>
          %get3A_309 = arith.index_cast %get3A_304 : i32 to index
          %get3A_310 = arith.index_cast %add3A_303 : i32 to index
          %get3A_311 = tpu.vector_load %get3A_308[%get3A_309, %get3A_310] {strides = array<i32>} : memref<1x256xi32, #tpu.memory_space<vmem>>, vector<16xi32>,
          %max3A_312 = arith.maxsi %max3A, %get3A_311 : vector<16xi32>
          %add3A_313 = arith.constant 48 : i32
          %add3A_314 = arith.addi %add3A_283, %add3A_313 : i32
          %get3A_315 = arith.constant 0 : i32
          %get3A_316 = arith.constant 0 : i32
          %get3A_317 = arith.constant 0 : i32
          %get3A_318 = tpu.memref_slice %run_scoped3A[%rem3A_205, %get3A_316, %get3A_317] : memref<2x1x256xi32, #tpu.memory_space<vmem>> -> memref<1x1x256xi32, #tpu.memory_space<vmem>>
          %get3A_319 = tpu.memref_squeeze %get3A_318 : memref<1x1x256xi32, #tpu.memory_space<vmem>> -> memref<1x256xi32, #tpu.memory_space<vmem>>
          %get3A_320 = arith.index_cast %get3A_315 : i32 to index
          %get3A_321 = arith.index_cast %add3A_314 : i32 to index
          %get3A_322 = tpu.vector_load %get3A_319[%get3A_320, %get3A_321] {strides = array<i32>} : memref<1x256xi32, #tpu.memory_space<vmem>>, vector<16xi32>,
          %max3A_323 = arith.maxsi %max3A_312, %get3A_322 : vector<16xi32>
          %ge3A_324 = arith.constant 100000 : i32
          %ge3A_325 = vector.broadcast %ge3A_324 : i32 to vector<16xi32>
          %ge3A_326 = arith.cmpi sge, %max3A_323, %ge3A_325 : vector<16xi32>
          %reduce_or3A = arith.constant 1.000000e+00 : f32
          %reduce_or3A_327 = arith.constant 0.000000e+00 : f32
          %reduce_or3A_328 = vector.broadcast %reduce_or3A : f32 to vector<16xf32>
          %reduce_or3A_329 = vector.broadcast %reduce_or3A_327 : f32 to vector<16xf32>
          %reduce_or3A_330 = arith.select %ge3A_326, %reduce_or3A_328, %reduce_or3A_329 : vector<16xi1>, vector<16xf32>
          %reduce_or3A_331 = arith.constant true
          %reduce_or3A_332 = vector.broadcast %reduce_or3A_331 : i1 to vector<16xi1>
          %reduce_or3A_333 = tpu.scan <max>, %reduce_or3A_330 masked %reduce_or3A_332 : vector<16xf32>, vector<16xi1> -> vector<16xf32>
          %reduce_or3A_334 = vector.extract %reduce_or3A_333[15] : f32 from vector<16xf32>
          %reduce_or3A_335 = arith.constant 0.000000e+00 : f32
          %reduce_or3A_336 = arith.cmpf ogt, %reduce_or3A_334, %reduce_or3A_335 : f32
          %convert_element_type3A_337 = arith.extui %reduce_or3A_336 : i1 to i32
          %cond3A_338 = arith.constant 0 : i32
          %cond3A_339 = arith.cmpi ne, %convert_element_type3A_337, %cond3A_338 : i32
          scf.if %cond3A_339 {
            %scan3A_340 = arith.constant 0 : i32
            %scan3A_341 = arith.constant 4 : i32
            %scan3A_342 = arith.addi %scan3A_340, %scan3A_341 : i32
            %scan3A_343 = arith.constant 1 : i32
            scf.for %scan3A_345 = %scan3A_340 to %scan3A_342 step %scan3A_343  : i32 {
              %mul3A_346 = arith.constant 16 : i32
              %mul3A_347 = arith.muli %scan3A_345, %mul3A_346 : i32
              %add3A_348 = arith.constant 0 : i32
              %add3A_349 = arith.addi %add3A_348, %mul3A_347 : i32
              %add3A_350 = arith.addi %add3A_283, %add3A_349 : i32
              %get3A_351 = arith.constant 0 : i32
              %get3A_352 = arith.constant 0 : i32
              %get3A_353 = arith.constant 0 : i32
              %get3A_354 = tpu.memref_slice %run_scoped3A[%rem3A_205, %get3A_352, %get3A_353] : memref<2x1x256xi32, #tpu.memory_space<vmem>> -> memref<1x1x256xi32, #tpu.memory_space<vmem>>
              %get3A_355 = tpu.memref_squeeze %get3A_354 : memref<1x1x256xi32, #tpu.memory_space<vmem>> -> memref<1x256xi32, #tpu.memory_space<vmem>>
              %get3A_356 = arith.index_cast %get3A_351 : i32 to index
              %get3A_357 = arith.index_cast %add3A_350 : i32 to index
              %get3A_358 = tpu.vector_load %get3A_355[%get3A_356, %get3A_357] {strides = array<i32>} : memref<1x256xi32, #tpu.memory_space<vmem>>, vector<16xi32>,
              %ge3A_359 = arith.constant 100000 : i32
              %ge3A_360 = vector.broadcast %ge3A_359 : i32 to vector<16xi32>
              %ge3A_361 = arith.cmpi sge, %get3A_358, %ge3A_360 : vector<16xi32>
              %reduce_or3A_362 = arith.constant 1.000000e+00 : f32
              %reduce_or3A_363 = arith.constant 0.000000e+00 : f32
              %reduce_or3A_364 = vector.broadcast %reduce_or3A_362 : f32 to vector<16xf32>
              %reduce_or3A_365 = vector.broadcast %reduce_or3A_363 : f32 to vector<16xf32>
              %reduce_or3A_366 = arith.select %ge3A_361, %reduce_or3A_364, %reduce_or3A_365 : vector<16xi1>, vector<16xf32>
              %reduce_or3A_367 = arith.constant true
              %reduce_or3A_368 = vector.broadcast %reduce_or3A_367 : i1 to vector<16xi1>
              %reduce_or3A_369 = tpu.scan <max>, %reduce_or3A_366 masked %reduce_or3A_368 : vector<16xf32>, vector<16xi1> -> vector<16xf32>
              %reduce_or3A_370 = vector.extract %reduce_or3A_369[15] : f32 from vector<16xf32>
              %reduce_or3A_371 = arith.constant 0.000000e+00 : f32
              %reduce_or3A_372 = arith.cmpf ogt, %reduce_or3A_370, %reduce_or3A_371 : f32
              %convert_element_type3A_373 = arith.extui %reduce_or3A_372 : i1 to i32
              %cond3A_374 = arith.constant 0 : i32
              %cond3A_375 = arith.cmpi ne, %convert_element_type3A_373, %cond3A_374 : i32
              scf.if %cond3A_375 {
                %sub3A_376 = arith.constant 100000 : i32
                %sub3A_377 = vector.broadcast %sub3A_376 : i32 to vector<16xi32>
                %sub3A_378 = arith.subi %get3A_358, %sub3A_377 : vector<16xi32>
                %jit3A = arith.constant 0 : i32
                %broadcast_in_dim3A_379 = vector.broadcast %jit3A : i32 to vector<16xi32>
                %select_n3A_380 = arith.select %ge3A_361, %sub3A_378, %broadcast_in_dim3A_379 : vector<16xi1>, vector<16xi32>
                %mul3A_381 = arith.constant 256 : i32
                %mul3A_382 = arith.muli %add3A_141, %mul3A_381 : i32
                %broadcast_in_dim3A_383 = vector.broadcast %mul3A_382 : i32 to vector<16xi32>
                %add3A_384 = vector.broadcast %add3A_283 : i32 to vector<16xi32>
                %add3A_385 = arith.addi %broadcast_in_dim3A_383, %add3A_384 : vector<16xi32>
                %add3A_386 = vector.broadcast %add3A_349 : i32 to vector<16xi32>
                %add3A_387 = arith.addi %add3A_385, %add3A_386 : vector<16xi32>
                %iota3A = tpu.iota {dimensions = array<i32: 0>} : vector<16xi32>
                %add3A_388 = arith.addi %add3A_387, %iota3A : vector<16xi32>
                %get3A_389 = arith.constant 0 : i32
                %get3A_390 = arith.index_cast %get3A_389 : i32 to index
                %get3A_391 = memref.load %arg11[%get3A_390] : memref<1xi32, #tpu.memory_space<smem>>
                %swap3A_392 = arith.index_cast %get3A_391 : i32 to index
                %swap3A_393 = tpu.vector_load %arg8[%swap3A_392] masked %ge3A_361 {strides = array<i32>} : memref<6416xi32, #tpu.memory_space<vmem>>, vector<16xi32>, vector<16xi1>
                tpu.vector_store %arg8[%swap3A_392], %add3A_388 masked %ge3A_361 {strides = array<i32>} : memref<6416xi32, #tpu.memory_space<vmem>>, vector<16xi32>, vector<16xi1>
                %swap3A_394 = arith.index_cast %get3A_391 : i32 to index
                %swap3A_395 = tpu.vector_load %arg9[%swap3A_394] masked %ge3A_361 {strides = array<i32>} : memref<6416xi32, #tpu.memory_space<vmem>>, vector<16xi32>, vector<16xi1>
                tpu.vector_store %arg9[%swap3A_394], %select_n3A_380 masked %ge3A_361 {strides = array<i32>} : memref<6416xi32, #tpu.memory_space<vmem>>, vector<16xi32>, vector<16xi1>
                %all_reduce_population_count3A = tpu.all_reduce %ge3A_361 {dim = 0 : i64, kind = #tpu.reduction_kind<sum>} : vector<16xi1> -> vector<16xi32>
                %reduce_max3A = arith.constant true
                %reduce_max3A_396 = vector.broadcast %reduce_max3A : i1 to vector<16xi1>
                %reduce_max3A_397 = arith.constant -2147483648 : i32
                %reduce_max3A_398 = vector.broadcast %reduce_max3A_397 : i32 to vector<16xi32>
                %reduce_max3A_399 = arith.xori %all_reduce_population_count3A, %reduce_max3A_398 : vector<16xi32>
                %reduce_max3A_400 = tpu.scan <max>, %reduce_max3A_399 masked %reduce_max3A_396 : vector<16xi32>, vector<16xi1> -> vector<16xi32>
                %reduce_max3A_401 = arith.xori %reduce_max3A_400, %reduce_max3A_398 : vector<16xi32>
                %reduce_max3A_402 = vector.extract %reduce_max3A_401[15] : i32 from vector<16xi32>
                %add3A_403 = arith.addi %get3A_391, %reduce_max3A_402 : i32
                %swap3A_404 = arith.constant 0 : i32
                %swap3A_405 = arith.index_cast %swap3A_404 : i32 to index
                %swap3A_406 = memref.load %arg11[%swap3A_405] : memref<1xi32, #tpu.memory_space<smem>>
                memref.store %add3A_403, %arg11[%swap3A_405] : memref<1xi32, #tpu.memory_space<smem>>
              } else {
              }
            }
            %scan3A_344 = arith.constant 4 : i32
          } else {
          }
        }
        %scan3A_213 = arith.constant 4 : i32
        "tpu.trace_stop"() : () -> ()
        %ne3A_214 = arith.cmpi ne, %add3A_141, %add3A_159 : i32
        %or3A_215 = arith.constant false
        %or3A_216 = arith.ori %or3A_215, %ne3A_214 : i1
        %or3A_217 = arith.ori %or3A_216, %eq3A_140 : i1
        %convert_element_type3A_218 = arith.extui %or3A_217 : i1 to i32
        %cond3A_219 = arith.constant 0 : i32
        %cond3A_220 = arith.cmpi ne, %convert_element_type3A_218, %cond3A_219 : i32
        scf.if %cond3A_220 {
        } else {
        }
        %and3A_221 = arith.constant false
        %and3A_222 = arith.andi %or3A_217, %and3A_221 : i1
        %ne3A_223 = arith.cmpi ne, %add3A_141, %add3A_159 : i32
        %or3A_224 = arith.constant false
        %or3A_225 = arith.ori %or3A_224, %ne3A_223 : i1
        %or3A_226 = arith.constant false
        %or3A_227 = arith.ori %or3A_225, %or3A_226 : i1
        %or3A_228 = arith.ori %or3A_227, %eq3A_140 : i1
        %convert_element_type3A_229 = arith.extui %or3A_228 : i1 to i32
        %cond3A_230 = arith.constant 0 : i32
        %cond3A_231 = arith.cmpi ne, %convert_element_type3A_229, %cond3A_230 : i32
        scf.if %cond3A_231 {
          "tpu.trace_start"() <{level = 10 : i32, message = "ep_copy_out"}> : () -> ()
          %rem3A_279 = arith.constant 2 : i32
          %rem3A_280 = arith.remui %scan3A_134, %rem3A_279 : i32
          %mul3A_281 = arith.constant 256 : i32
          %mul3A_282 = arith.muli %mul3A_281, %add3A_141 : i32
          %dma_start3A_283 = arith.constant 0 : i32
          %dma_start3A_284 = arith.constant 0 : i32
          %dma_start3A_285 = tpu.memref_slice %run_scoped3A_18[%rem3A_280, %dma_start3A_283, %dma_start3A_284] : memref<2x256x128xf32, #tpu.memory_space<vmem>> -> memref<1x256x128xf32, #tpu.memory_space<vmem>>
          %dma_start3A_286 = tpu.memref_squeeze %dma_start3A_285 : memref<1x256x128xf32, #tpu.memory_space<vmem>> -> memref<256x128xf32, #tpu.memory_space<vmem>>
          %dma_start3A_287 = arith.constant 0 : i32
          %dma_start3A_288 = tpu.memref_slice %arg4[%mul3A_282, %dma_start3A_287] : memref<204800x128xf32, #tpu.memory_space<hbm>> -> memref<256x128xf32, #tpu.memory_space<hbm>>
          %dma_start3A_289 = tpu.memref_slice %run_scoped3A_19[%rem3A_280] : memref<2x!tpu.dma_semaphore, #tpu.memory_space<semaphore_mem>> -> memref<1x!tpu.dma_semaphore, #tpu.memory_space<semaphore_mem>>
          %dma_start3A_290 = tpu.memref_squeeze %dma_start3A_289 : memref<1x!tpu.dma_semaphore, #tpu.memory_space<semaphore_mem>> -> memref<!tpu.dma_semaphore, #tpu.memory_space<semaphore_mem>>
          %dma_start3A_291 = arith.constant 0 : i32
          %dma_start3A_292 = tpu.memref_slice %arg4[%mul3A_282, %dma_start3A_291] : memref<204800x128xf32, #tpu.memory_space<hbm>> -> memref<256x128xf32, #tpu.memory_space<hbm>>
          %dma_start3A_293 = arith.constant 0 : i32
          %dma_start3A_294 = arith.constant 0 : i32
          %dma_start3A_295 = tpu.memref_slice %run_scoped3A_18[%rem3A_280, %dma_start3A_293, %dma_start3A_294] : memref<2x256x128xf32, #tpu.memory_space<vmem>> -> memref<1x256x128xf32, #tpu.memory_space<vmem>>
          %dma_start3A_296 = tpu.memref_squeeze %dma_start3A_295 : memref<1x256x128xf32, #tpu.memory_space<vmem>> -> memref<256x128xf32, #tpu.memory_space<vmem>>
          tpu.enqueue_dma source(%dma_start3A_296 : memref<256x128xf32, #tpu.memory_space<vmem>>) target(%dma_start3A_292 : memref<256x128xf32, #tpu.memory_space<hbm>>) target_semaphore(%dma_start3A_290 : memref<!tpu.dma_semaphore, #tpu.memory_space<semaphore_mem>>)
          "tpu.trace_stop"() : () -> ()
        } else {
        }
        %and3A_232 = arith.constant true
        %and3A_233 = arith.andi %or3A_228, %and3A_232 : i1
        %add3A_234 = arith.constant 1 : i32
        %add3A_235 = arith.addi %scan3A_134, %add3A_234 : i32
        %select_n3A_236 = arith.select %and3A_233, %add3A_235, %scan3A_134 : i32
        %ne3A_237 = arith.cmpi ne, %add3A_141, %add3A_150 : i32
        %or3A_238 = arith.constant false
        %or3A_239 = arith.ori %or3A_238, %ne3A_237 : i1
        %not3A_240 = arith.constant true
        %not3A_241 = arith.xori %eq3A_138, %not3A_240 : i1
        %and3A_242 = arith.andi %or3A_239, %not3A_241 : i1
        %convert_element_type3A_243 = arith.extui %and3A_242 : i1 to i32
        %cond3A_244 = arith.constant 0 : i32
        %cond3A_245 = arith.cmpi ne, %convert_element_type3A_243, %cond3A_244 : i32
        scf.if %cond3A_245 {
        } else {
        }
        %and3A_246 = arith.constant false
        %and3A_247 = arith.andi %and3A_242, %and3A_246 : i1
        %ne3A_248 = arith.cmpi ne, %add3A_141, %add3A_150 : i32
        %or3A_249 = arith.constant false
        %or3A_250 = arith.ori %or3A_249, %ne3A_248 : i1
        %or3A_251 = arith.constant false
        %or3A_252 = arith.ori %or3A_250, %or3A_251 : i1
        %not3A_253 = arith.constant true
        %not3A_254 = arith.xori %eq3A_138, %not3A_253 : i1
        %and3A_255 = arith.andi %or3A_252, %not3A_254 : i1
        %convert_element_type3A_256 = arith.extui %and3A_255 : i1 to i32
        %cond3A_257 = arith.constant 0 : i32
        %cond3A_258 = arith.cmpi ne, %convert_element_type3A_256, %cond3A_257 : i32
        scf.if %cond3A_258 {
          "tpu.trace_start"() <{level = 10 : i32, message = "ep_wait_out"}> : () -> ()
          %rem3A_279 = arith.constant 2 : i32
          %rem3A_280 = arith.remui %scan3A_135, %rem3A_279 : i32
          %mul3A_281 = arith.constant 256 : i32
          %mul3A_282 = arith.muli %mul3A_281, %add3A_150 : i32
          %dma_wait3A_283 = arith.constant 0 : i32
          %dma_wait3A_284 = arith.constant 0 : i32
          %dma_wait3A_285 = tpu.memref_slice %run_scoped3A_18[%rem3A_280, %dma_wait3A_283, %dma_wait3A_284] : memref<2x256x128xf32, #tpu.memory_space<vmem>> -> memref<1x256x128xf32, #tpu.memory_space<vmem>>
          %dma_wait3A_286 = tpu.memref_squeeze %dma_wait3A_285 : memref<1x256x128xf32, #tpu.memory_space<vmem>> -> memref<256x128xf32, #tpu.memory_space<vmem>>
          %dma_wait3A_287 = arith.constant 0 : i32
          %dma_wait3A_288 = tpu.memref_slice %arg4[%mul3A_282, %dma_wait3A_287] : memref<204800x128xf32, #tpu.memory_space<hbm>> -> memref<256x128xf32, #tpu.memory_space<hbm>>
          %dma_wait3A_289 = tpu.memref_slice %run_scoped3A_19[%rem3A_280] : memref<2x!tpu.dma_semaphore, #tpu.memory_space<semaphore_mem>> -> memref<1x!tpu.dma_semaphore, #tpu.memory_space<semaphore_mem>>
          %dma_wait3A_290 = tpu.memref_squeeze %dma_wait3A_289 : memref<1x!tpu.dma_semaphore, #tpu.memory_space<semaphore_mem>> -> memref<!tpu.dma_semaphore, #tpu.memory_space<semaphore_mem>>
          %dma_wait3A_291 = arith.constant 0 : i32
          %dma_wait3A_292 = tpu.memref_slice %arg4[%mul3A_282, %dma_wait3A_291] : memref<204800x128xf32, #tpu.memory_space<hbm>> -> memref<256x128xf32, #tpu.memory_space<hbm>>
          %dma_wait3A_293 = arith.constant 0 : i32
          %dma_wait3A_294 = arith.constant 0 : i32
          %dma_wait3A_295 = tpu.memref_slice %run_scoped3A_18[%rem3A_280, %dma_wait3A_293, %dma_wait3A_294] : memref<2x256x128xf32, #tpu.memory_space<vmem>> -> memref<1x256x128xf32, #tpu.memory_space<vmem>>
          %dma_wait3A_296 = tpu.memref_squeeze %dma_wait3A_295 : memref<1x256x128xf32, #tpu.memory_space<vmem>> -> memref<256x128xf32, #tpu.memory_space<vmem>>
          tpu.wait_dma2 semaphore(%dma_wait3A_290 : memref<!tpu.dma_semaphore, #tpu.memory_space<semaphore_mem>>) src(%dma_wait3A_296 : memref<256x128xf32, #tpu.memory_space<vmem>>) dst(%dma_wait3A_292 : memref<256x128xf32, #tpu.memory_space<hbm>>)
          "tpu.trace_stop"() : () -> ()
        } else {
        }
        %and3A_259 = arith.constant true
        %and3A_260 = arith.andi %and3A_255, %and3A_259 : i1
        %add3A_261 = arith.constant 1 : i32
        %add3A_262 = arith.addi %scan3A_135, %add3A_261 : i32
        %select_n3A_263 = arith.select %and3A_260, %add3A_262, %scan3A_135 : i32
        %ne3A_264 = arith.cmpi ne, %add3A_141, %add3A_159 : i32
        %or3A_265 = arith.constant false
        %or3A_266 = arith.ori %or3A_265, %ne3A_264 : i1
        %or3A_267 = arith.ori %or3A_266, %eq3A_140 : i1
        %add3A_268 = arith.constant 1 : i32
        %add3A_269 = arith.addi %scan3A_133, %add3A_268 : i32
        %select_n3A_270 = arith.select %or3A_267, %add3A_269, %scan3A_133 : i32
        %add3A_271 = arith.constant 1 : i32
        %add3A_272 = arith.addi %scan3A_136, %add3A_271 : i32
        %select_n3A_273 = arith.constant true
        %select_n3A_274 = arith.select %select_n3A_273, %add3A_272, %scan3A_136 : i32
        %eq3A_275 = arith.constant 25 : i32
        %eq3A_276 = arith.cmpi eq, %select_n3A_274, %eq3A_275 : i32
        %select_n3A_277 = arith.constant 0 : i32
        %select_n3A_278 = arith.select %eq3A_276, %select_n3A_277, %select_n3A_274 : i32
        scf.yield %select_n3A_177, %select_n3A_270, %select_n3A_236, %select_n3A_263, %select_n3A_278 : i32, i32, i32, i32, i32
      }
      %scan3A_78 = arith.constant 25 : i32
      %sub3A = arith.constant 1 : i32
      %sub3A_79 = arith.subi %scan3A_77#4, %sub3A : i32
      %select_n3A_80 = arith.constant true
      %select_n3A_81 = arith.select %select_n3A_80, %sub3A_79, %scan3A_77#4 : i32
      %eq3A_82 = arith.constant -1 : i32
      %eq3A_83 = arith.cmpi eq, %select_n3A_81, %eq3A_82 : i32
      %select_n3A_84 = arith.constant 24 : i32
      %select_n3A_85 = arith.select %eq3A_83, %select_n3A_84, %select_n3A_81 : i32
      %add3A_86 = arith.addi %select_n3A_85, %mul3A_12 : i32
      %sub3A_87 = arith.constant 1 : i32
      %sub3A_88 = arith.subi %select_n3A_85, %sub3A_87 : i32
      %select_n3A_89 = arith.constant true
      %select_n3A_90 = arith.select %select_n3A_89, %sub3A_88, %select_n3A_85 : i32
      %eq3A_91 = arith.constant -1 : i32
      %eq3A_92 = arith.cmpi eq, %select_n3A_90, %eq3A_91 : i32
      %select_n3A_93 = arith.constant 24 : i32
      %select_n3A_94 = arith.select %eq3A_92, %select_n3A_93, %select_n3A_90 : i32
      %add3A_95 = arith.addi %select_n3A_94, %mul3A_12 : i32
      %add3A_96 = arith.constant 1 : i32
      %add3A_97 = arith.addi %select_n3A_85, %add3A_96 : i32
      %select_n3A_98 = arith.constant true
      %select_n3A_99 = arith.select %select_n3A_98, %add3A_97, %select_n3A_85 : i32
      %eq3A_100 = arith.constant 25 : i32
      %eq3A_101 = arith.cmpi eq, %select_n3A_99, %eq3A_100 : i32
      %select_n3A_102 = arith.constant 0 : i32
      %select_n3A_103 = arith.select %eq3A_101, %select_n3A_102, %select_n3A_99 : i32
      %add3A_104 = arith.addi %select_n3A_103, %mul3A_12 : i32
      %add3A_105 = arith.constant 1 : i32
      %add3A_106 = arith.addi %select_n3A_103, %add3A_105 : i32
      %select_n3A_107 = arith.constant true
      %select_n3A_108 = arith.select %select_n3A_107, %add3A_106, %select_n3A_103 : i32
      %eq3A_109 = arith.constant 25 : i32
      %eq3A_110 = arith.cmpi eq, %select_n3A_108, %eq3A_109 : i32
      %select_n3A_111 = arith.constant 0 : i32
      %select_n3A_112 = arith.select %eq3A_110, %select_n3A_111, %select_n3A_108 : i32
      %add3A_113 = arith.addi %select_n3A_112, %mul3A_12 : i32
      "tpu.trace_start"() <{level = 10 : i32, message = "ep_finalize"}> : () -> ()
      %rem3A_114 = arith.constant 2 : i32
      %rem3A_115 = arith.remui %scan3A_77#3, %rem3A_114 : i32
      %mul3A_116 = arith.constant 256 : i32
      %mul3A_117 = arith.muli %mul3A_116, %add3A_86 : i32
      %dma_wait3A = arith.constant 0 : i32
      %dma_wait3A_118 = arith.constant 0 : i32
      %dma_wait3A_119 = tpu.memref_slice %run_scoped3A_18[%rem3A_115, %dma_wait3A, %dma_wait3A_118] : memref<2x256x128xf32, #tpu.memory_space<vmem>> -> memref<1x256x128xf32, #tpu.memory_space<vmem>>
      %dma_wait3A_120 = tpu.memref_squeeze %dma_wait3A_119 : memref<1x256x128xf32, #tpu.memory_space<vmem>> -> memref<256x128xf32, #tpu.memory_space<vmem>>
      %dma_wait3A_121 = arith.constant 0 : i32
      %dma_wait3A_122 = tpu.memref_slice %arg4[%mul3A_117, %dma_wait3A_121] : memref<204800x128xf32, #tpu.memory_space<hbm>> -> memref<256x128xf32, #tpu.memory_space<hbm>>
      %dma_wait3A_123 = tpu.memref_slice %run_scoped3A_19[%rem3A_115] : memref<2x!tpu.dma_semaphore, #tpu.memory_space<semaphore_mem>> -> memref<1x!tpu.dma_semaphore, #tpu.memory_space<semaphore_mem>>
      %dma_wait3A_124 = tpu.memref_squeeze %dma_wait3A_123 : memref<1x!tpu.dma_semaphore, #tpu.memory_space<semaphore_mem>> -> memref<!tpu.dma_semaphore, #tpu.memory_space<semaphore_mem>>
      %dma_wait3A_125 = arith.constant 0 : i32
      %dma_wait3A_126 = tpu.memref_slice %arg4[%mul3A_117, %dma_wait3A_125] : memref<204800x128xf32, #tpu.memory_space<hbm>> -> memref<256x128xf32, #tpu.memory_space<hbm>>
      %dma_wait3A_127 = arith.constant 0 : i32
      %dma_wait3A_128 = arith.constant 0 : i32
      %dma_wait3A_129 = tpu.memref_slice %run_scoped3A_18[%rem3A_115, %dma_wait3A_127, %dma_wait3A_128] : memref<2x256x128xf32, #tpu.memory_space<vmem>> -> memref<1x256x128xf32, #tpu.memory_space<vmem>>
      %dma_wait3A_130 = tpu.memref_squeeze %dma_wait3A_129 : memref<1x256x128xf32, #tpu.memory_space<vmem>> -> memref<256x128xf32, #tpu.memory_space<vmem>>
      tpu.wait_dma2 semaphore(%dma_wait3A_124 : memref<!tpu.dma_semaphore, #tpu.memory_space<semaphore_mem>>) src(%dma_wait3A_130 : memref<256x128xf32, #tpu.memory_space<vmem>>) dst(%dma_wait3A_126 : memref<256x128xf32, #tpu.memory_space<hbm>>)
      "tpu.trace_stop"() : () -> ()
      tpu.yield
    }) : () -> ()
    %get3A = arith.constant 0 : i32
    %get3A_13 = arith.index_cast %get3A : i32 to index
    %get3A_14 = memref.load %arg11[%get3A_13] : memref<1xi32, #tpu.memory_space<smem>>
    %broadcast_in_dim3A = vector.broadcast %get3A_14 : i32 to vector<16xi32>
    %swap3A_15 = arith.constant 0 : index
    %swap3A_16 = tpu.vector_load %arg10[%swap3A_15] {strides = array<i32>} : memref<16xi32, #tpu.memory_space<vmem>>, vector<16xi32>,
    tpu.vector_store %arg10[%swap3A_15], %broadcast_in_dim3A {strides = array<i32>} : memref<16xi32, #tpu.memory_space<vmem>>, vector<16xi32>,
    "tpu.region"() ({
      %run_scoped3A = tpu.sem_alloc : memref<!tpu.dma_semaphore, #tpu.memory_space<semaphore_mem>>
      %dma_start3A = arith.constant 0 : i32
      %dma_start3A_17 = tpu.memref_slice %arg5[%add3A, %dma_start3A] : memref<32x16xi32, #tpu.memory_space<hbm>> -> memref<1x16xi32, #tpu.memory_space<hbm>>
      %dma_start3A_18 = tpu.memref_squeeze %dma_start3A_17 : memref<1x16xi32, #tpu.memory_space<hbm>> -> memref<16xi32, #tpu.memory_space<hbm>>
      %dma_start3A_19 = arith.constant 0 : i32
      %dma_start3A_20 = tpu.memref_slice %arg5[%add3A, %dma_start3A_19] : memref<32x16xi32, #tpu.memory_space<hbm>> -> memref<1x16xi32, #tpu.memory_space<hbm>>
      %dma_start3A_21 = tpu.memref_squeeze %dma_start3A_20 : memref<1x16xi32, #tpu.memory_space<hbm>> -> memref<16xi32, #tpu.memory_space<hbm>>
      tpu.enqueue_dma source(%arg10 : memref<16xi32, #tpu.memory_space<vmem>>) target(%dma_start3A_21 : memref<16xi32, #tpu.memory_space<hbm>>) target_semaphore(%run_scoped3A : memref<!tpu.dma_semaphore, #tpu.memory_space<semaphore_mem>>)
      %dma_wait3A = arith.constant 0 : i32
      %dma_wait3A_22 = tpu.memref_slice %arg5[%add3A, %dma_wait3A] : memref<32x16xi32, #tpu.memory_space<hbm>> -> memref<1x16xi32, #tpu.memory_space<hbm>>
      %dma_wait3A_23 = tpu.memref_squeeze %dma_wait3A_22 : memref<1x16xi32, #tpu.memory_space<hbm>> -> memref<16xi32, #tpu.memory_space<hbm>>
      %dma_wait3A_24 = arith.constant 0 : i32
      %dma_wait3A_25 = tpu.memref_slice %arg5[%add3A, %dma_wait3A_24] : memref<32x16xi32, #tpu.memory_space<hbm>> -> memref<1x16xi32, #tpu.memory_space<hbm>>
      %dma_wait3A_26 = tpu.memref_squeeze %dma_wait3A_25 : memref<1x16xi32, #tpu.memory_space<hbm>> -> memref<16xi32, #tpu.memory_space<hbm>>
      tpu.wait_dma2 semaphore(%run_scoped3A : memref<!tpu.dma_semaphore, #tpu.memory_space<semaphore_mem>>) src(%arg10 : memref<16xi32, #tpu.memory_space<vmem>>) dst(%dma_wait3A_26 : memref<16xi32, #tpu.memory_space<hbm>>)
      tpu.yield
    }) : () -> ()
    "tpu.region"() ({
      %run_scoped3A = tpu.sem_alloc : memref<!tpu.dma_semaphore, #tpu.memory_space<semaphore_mem>>
      %dma_start3A = arith.constant 0 : i32
      %dma_start3A_17 = tpu.memref_slice %arg6[%add3A, %dma_start3A] : memref<32x6416xi32, #tpu.memory_space<hbm>> -> memref<1x6416xi32, #tpu.memory_space<hbm>>
      %dma_start3A_18 = tpu.memref_squeeze %dma_start3A_17 : memref<1x6416xi32, #tpu.memory_space<hbm>> -> memref<6416xi32, #tpu.memory_space<hbm>>
      %dma_start3A_19 = arith.constant 0 : i32
      %dma_start3A_20 = tpu.memref_slice %arg6[%add3A, %dma_start3A_19] : memref<32x6416xi32, #tpu.memory_space<hbm>> -> memref<1x6416xi32, #tpu.memory_space<hbm>>
      %dma_start3A_21 = tpu.memref_squeeze %dma_start3A_20 : memref<1x6416xi32, #tpu.memory_space<hbm>> -> memref<6416xi32, #tpu.memory_space<hbm>>
      tpu.enqueue_dma source(%arg8 : memref<6416xi32, #tpu.memory_space<vmem>>) target(%dma_start3A_21 : memref<6416xi32, #tpu.memory_space<hbm>>) target_semaphore(%run_scoped3A : memref<!tpu.dma_semaphore, #tpu.memory_space<semaphore_mem>>)
      %dma_wait3A = arith.constant 0 : i32
      %dma_wait3A_22 = tpu.memref_slice %arg6[%add3A, %dma_wait3A] : memref<32x6416xi32, #tpu.memory_space<hbm>> -> memref<1x6416xi32, #tpu.memory_space<hbm>>
      %dma_wait3A_23 = tpu.memref_squeeze %dma_wait3A_22 : memref<1x6416xi32, #tpu.memory_space<hbm>> -> memref<6416xi32, #tpu.memory_space<hbm>>
      %dma_wait3A_24 = arith.constant 0 : i32
      %dma_wait3A_25 = tpu.memref_slice %arg6[%add3A, %dma_wait3A_24] : memref<32x6416xi32, #tpu.memory_space<hbm>> -> memref<1x6416xi32, #tpu.memory_space<hbm>>
      %dma_wait3A_26 = tpu.memref_squeeze %dma_wait3A_25 : memref<1x6416xi32, #tpu.memory_space<hbm>> -> memref<6416xi32, #tpu.memory_space<hbm>>
      tpu.wait_dma2 semaphore(%run_scoped3A : memref<!tpu.dma_semaphore, #tpu.memory_space<semaphore_mem>>) src(%arg8 : memref<6416xi32, #tpu.memory_space<vmem>>) dst(%dma_wait3A_26 : memref<6416xi32, #tpu.memory_space<hbm>>)
      tpu.yield
    }) : () -> ()
    "tpu.region"() ({
      %run_scoped3A = tpu.sem_alloc : memref<!tpu.dma_semaphore, #tpu.memory_space<semaphore_mem>>
      %dma_start3A = arith.constant 0 : i32
      %dma_start3A_17 = tpu.memref_slice %arg7[%add3A, %dma_start3A] : memref<32x6416xi32, #tpu.memory_space<hbm>> -> memref<1x6416xi32, #tpu.memory_space<hbm>>
      %dma_start3A_18 = tpu.memref_squeeze %dma_start3A_17 : memref<1x6416xi32, #tpu.memory_space<hbm>> -> memref<6416xi32, #tpu.memory_space<hbm>>
      %dma_start3A_19 = arith.constant 0 : i32
      %dma_start3A_20 = tpu.memref_slice %arg7[%add3A, %dma_start3A_19] : memref<32x6416xi32, #tpu.memory_space<hbm>> -> memref<1x6416xi32, #tpu.memory_space<hbm>>
      %dma_start3A_21 = tpu.memref_squeeze %dma_start3A_20 : memref<1x6416xi32, #tpu.memory_space<hbm>> -> memref<6416xi32, #tpu.memory_space<hbm>>
      tpu.enqueue_dma source(%arg9 : memref<6416xi32, #tpu.memory_space<vmem>>) target(%dma_start3A_21 : memref<6416xi32, #tpu.memory_space<hbm>>) target_semaphore(%run_scoped3A : memref<!tpu.dma_semaphore, #tpu.memory_space<semaphore_mem>>)
      %dma_wait3A = arith.constant 0 : i32
      %dma_wait3A_22 = tpu.memref_slice %arg7[%add3A, %dma_wait3A] : memref<32x6416xi32, #tpu.memory_space<hbm>> -> memref<1x6416xi32, #tpu.memory_space<hbm>>
      %dma_wait3A_23 = tpu.memref_squeeze %dma_wait3A_22 : memref<1x6416xi32, #tpu.memory_space<hbm>> -> memref<6416xi32, #tpu.memory_space<hbm>>
      %dma_wait3A_24 = arith.constant 0 : i32
      %dma_wait3A_25 = tpu.memref_slice %arg7[%add3A, %dma_wait3A_24] : memref<32x6416xi32, #tpu.memory_space<hbm>> -> memref<1x6416xi32, #tpu.memory_space<hbm>>
      %dma_wait3A_26 = tpu.memref_squeeze %dma_wait3A_25 : memref<1x6416xi32, #tpu.memory_space<hbm>> -> memref<6416xi32, #tpu.memory_space<hbm>>
      tpu.wait_dma2 semaphore(%run_scoped3A : memref<!tpu.dma_semaphore, #tpu.memory_space<semaphore_mem>>) src(%arg9 : memref<6416xi32, #tpu.memory_space<vmem>>) dst(%dma_wait3A_26 : memref<6416xi32, #tpu.memory_space<hbm>>)
      tpu.yield
    }) : () -> ()
    return
  }
}

#map = affine_map<(d0, d1) -> (0, 0)>
module attributes {stable_mosaic.version = 14 : i64} {
  func.func @_(%arg0: i32, %arg1: i32, %arg2: memref<32x16xi32, #tpu.memory_space<hbm>>, %arg3: memref<32x6416xi32, #tpu.memory_space<hbm>>, %arg4: memref<32x6416xi32, #tpu.memory_space<hbm>>, %arg5: memref<256x128xf32, #tpu.memory_space<hbm>>, %arg6: memref<204800x128xf32, #tpu.memory_space<hbm>>, %arg7: memref<204800x128xf32, #tpu.memory_space<hbm>>) attributes {dimension_semantics = [#tpu.dimension_semantics<core_parallel>, #tpu.dimension_semantics<subcore_parallel>], iteration_bounds = array<i64: 2, 16>, scalar_prefetch = 0 : i64, scratch_operands = 0 : i64, tpu.core_type = #tpu.core_type<sc_vector_subcore>, window_params = [{transform_indices = #map}, {transform_indices = #map}, {transform_indices = #map}, {transform_indices = #map}, {transform_indices = #map}, {transform_indices = #map}]} {
    %mul3A = arith.constant 2 : i32
    %mul3A_0 = arith.muli %arg1, %mul3A : i32
    %add3A = arith.addi %mul3A_0, %arg0 : i32
    "tpu.region"() ({
      %run_scoped3A = memref.alloca() : memref<6416xi32, #tpu.memory_space<vmem>>
      %run_scoped3A_1 = memref.alloca() : memref<6416xi32, #tpu.memory_space<vmem>>
      %run_scoped3A_2 = memref.alloca() : memref<16xi32, #tpu.memory_space<vmem>>
      %run_scoped3A_3 = memref.alloca() : memref<4x16x128xf32, #tpu.memory_space<vmem>>
      %run_scoped3A_4 = tpu.sem_alloc : memref<!tpu.dma_semaphore, #tpu.memory_space<semaphore_mem>>
      %run_scoped3A_5 = tpu.sem_alloc : memref<4x!tpu.dma_semaphore, #tpu.memory_space<semaphore_mem>>
      %dma_start3A = arith.constant 0 : i32
      %dma_start3A_6 = tpu.memref_slice %arg2[%add3A, %dma_start3A] : memref<32x16xi32, #tpu.memory_space<hbm>> -> memref<1x16xi32, #tpu.memory_space<hbm>>
      %dma_start3A_7 = tpu.memref_squeeze %dma_start3A_6 : memref<1x16xi32, #tpu.memory_space<hbm>> -> memref<16xi32, #tpu.memory_space<hbm>>
      %dma_start3A_8 = arith.constant 0 : i32
      %dma_start3A_9 = tpu.memref_slice %arg2[%add3A, %dma_start3A_8] : memref<32x16xi32, #tpu.memory_space<hbm>> -> memref<1x16xi32, #tpu.memory_space<hbm>>
      %dma_start3A_10 = tpu.memref_squeeze %dma_start3A_9 : memref<1x16xi32, #tpu.memory_space<hbm>> -> memref<16xi32, #tpu.memory_space<hbm>>
      tpu.enqueue_dma source(%dma_start3A_10 : memref<16xi32, #tpu.memory_space<hbm>>) target(%run_scoped3A_2 : memref<16xi32, #tpu.memory_space<vmem>>) target_semaphore(%run_scoped3A_4 : memref<!tpu.dma_semaphore, #tpu.memory_space<semaphore_mem>>)
      %dma_wait3A = arith.constant 0 : i32
      %dma_wait3A_11 = tpu.memref_slice %arg2[%add3A, %dma_wait3A] : memref<32x16xi32, #tpu.memory_space<hbm>> -> memref<1x16xi32, #tpu.memory_space<hbm>>
      %dma_wait3A_12 = tpu.memref_squeeze %dma_wait3A_11 : memref<1x16xi32, #tpu.memory_space<hbm>> -> memref<16xi32, #tpu.memory_space<hbm>>
      %dma_wait3A_13 = arith.constant 0 : i32
      %dma_wait3A_14 = tpu.memref_slice %arg2[%add3A, %dma_wait3A_13] : memref<32x16xi32, #tpu.memory_space<hbm>> -> memref<1x16xi32, #tpu.memory_space<hbm>>
      %dma_wait3A_15 = tpu.memref_squeeze %dma_wait3A_14 : memref<1x16xi32, #tpu.memory_space<hbm>> -> memref<16xi32, #tpu.memory_space<hbm>>
      tpu.wait_dma2 semaphore(%run_scoped3A_4 : memref<!tpu.dma_semaphore, #tpu.memory_space<semaphore_mem>>) src(%dma_wait3A_15 : memref<16xi32, #tpu.memory_space<hbm>>) dst(%run_scoped3A_2 : memref<16xi32, #tpu.memory_space<vmem>>)
      %get3A = arith.constant 0 : index
      %get3A_16 = tpu.vector_load %run_scoped3A_2[%get3A] {strides = array<i32>} : memref<16xi32, #tpu.memory_space<vmem>>, vector<16xi32>,
      %reduce_max3A = arith.constant true
      %reduce_max3A_17 = vector.broadcast %reduce_max3A : i1 to vector<16xi1>
      %reduce_max3A_18 = arith.constant -2147483648 : i32
      %reduce_max3A_19 = vector.broadcast %reduce_max3A_18 : i32 to vector<16xi32>
      %reduce_max3A_20 = arith.xori %get3A_16, %reduce_max3A_19 : vector<16xi32>
      %reduce_max3A_21 = tpu.scan <max>, %reduce_max3A_20 masked %reduce_max3A_17 : vector<16xi32>, vector<16xi1> -> vector<16xi32>
      %reduce_max3A_22 = arith.xori %reduce_max3A_21, %reduce_max3A_19 : vector<16xi32>
      %reduce_max3A_23 = vector.extract %reduce_max3A_22[15] : i32 from vector<16xi32>
      %gt3A = arith.constant 0 : i32
      %gt3A_24 = arith.cmpi sgt, %reduce_max3A_23, %gt3A : i32
      %convert_element_type3A = arith.extui %gt3A_24 : i1 to i32
      %cond3A = arith.constant 0 : i32
      %cond3A_25 = arith.cmpi ne, %convert_element_type3A, %cond3A : i32
      scf.if %cond3A_25 {
        %dma_start3A_46 = arith.constant 0 : i32
        %dma_start3A_47 = tpu.memref_slice %arg3[%add3A, %dma_start3A_46] : memref<32x6416xi32, #tpu.memory_space<hbm>> -> memref<1x6416xi32, #tpu.memory_space<hbm>>
        %dma_start3A_48 = tpu.memref_squeeze %dma_start3A_47 : memref<1x6416xi32, #tpu.memory_space<hbm>> -> memref<6416xi32, #tpu.memory_space<hbm>>
        %dma_start3A_49 = arith.constant 0 : i32
        %dma_start3A_50 = tpu.memref_slice %arg3[%add3A, %dma_start3A_49] : memref<32x6416xi32, #tpu.memory_space<hbm>> -> memref<1x6416xi32, #tpu.memory_space<hbm>>
        %dma_start3A_51 = tpu.memref_squeeze %dma_start3A_50 : memref<1x6416xi32, #tpu.memory_space<hbm>> -> memref<6416xi32, #tpu.memory_space<hbm>>
        tpu.enqueue_dma source(%dma_start3A_51 : memref<6416xi32, #tpu.memory_space<hbm>>) target(%run_scoped3A : memref<6416xi32, #tpu.memory_space<vmem>>) target_semaphore(%run_scoped3A_4 : memref<!tpu.dma_semaphore, #tpu.memory_space<semaphore_mem>>)
        %dma_wait3A_52 = arith.constant 0 : i32
        %dma_wait3A_53 = tpu.memref_slice %arg3[%add3A, %dma_wait3A_52] : memref<32x6416xi32, #tpu.memory_space<hbm>> -> memref<1x6416xi32, #tpu.memory_space<hbm>>
        %dma_wait3A_54 = tpu.memref_squeeze %dma_wait3A_53 : memref<1x6416xi32, #tpu.memory_space<hbm>> -> memref<6416xi32, #tpu.memory_space<hbm>>
        %dma_wait3A_55 = arith.constant 0 : i32
        %dma_wait3A_56 = tpu.memref_slice %arg3[%add3A, %dma_wait3A_55] : memref<32x6416xi32, #tpu.memory_space<hbm>> -> memref<1x6416xi32, #tpu.memory_space<hbm>>
        %dma_wait3A_57 = tpu.memref_squeeze %dma_wait3A_56 : memref<1x6416xi32, #tpu.memory_space<hbm>> -> memref<6416xi32, #tpu.memory_space<hbm>>
        tpu.wait_dma2 semaphore(%run_scoped3A_4 : memref<!tpu.dma_semaphore, #tpu.memory_space<semaphore_mem>>) src(%dma_wait3A_57 : memref<6416xi32, #tpu.memory_space<hbm>>) dst(%run_scoped3A : memref<6416xi32, #tpu.memory_space<vmem>>)
        %dma_start3A_58 = arith.constant 0 : i32
        %dma_start3A_59 = tpu.memref_slice %arg4[%add3A, %dma_start3A_58] : memref<32x6416xi32, #tpu.memory_space<hbm>> -> memref<1x6416xi32, #tpu.memory_space<hbm>>
        %dma_start3A_60 = tpu.memref_squeeze %dma_start3A_59 : memref<1x6416xi32, #tpu.memory_space<hbm>> -> memref<6416xi32, #tpu.memory_space<hbm>>
        %dma_start3A_61 = arith.constant 0 : i32
        %dma_start3A_62 = tpu.memref_slice %arg4[%add3A, %dma_start3A_61] : memref<32x6416xi32, #tpu.memory_space<hbm>> -> memref<1x6416xi32, #tpu.memory_space<hbm>>
        %dma_start3A_63 = tpu.memref_squeeze %dma_start3A_62 : memref<1x6416xi32, #tpu.memory_space<hbm>> -> memref<6416xi32, #tpu.memory_space<hbm>>
        tpu.enqueue_dma source(%dma_start3A_63 : memref<6416xi32, #tpu.memory_space<hbm>>) target(%run_scoped3A_1 : memref<6416xi32, #tpu.memory_space<vmem>>) target_semaphore(%run_scoped3A_4 : memref<!tpu.dma_semaphore, #tpu.memory_space<semaphore_mem>>)
        %dma_wait3A_64 = arith.constant 0 : i32
        %dma_wait3A_65 = tpu.memref_slice %arg4[%add3A, %dma_wait3A_64] : memref<32x6416xi32, #tpu.memory_space<hbm>> -> memref<1x6416xi32, #tpu.memory_space<hbm>>
        %dma_wait3A_66 = tpu.memref_squeeze %dma_wait3A_65 : memref<1x6416xi32, #tpu.memory_space<hbm>> -> memref<6416xi32, #tpu.memory_space<hbm>>
        %dma_wait3A_67 = arith.constant 0 : i32
        %dma_wait3A_68 = tpu.memref_slice %arg4[%add3A, %dma_wait3A_67] : memref<32x6416xi32, #tpu.memory_space<hbm>> -> memref<1x6416xi32, #tpu.memory_space<hbm>>
        %dma_wait3A_69 = tpu.memref_squeeze %dma_wait3A_68 : memref<1x6416xi32, #tpu.memory_space<hbm>> -> memref<6416xi32, #tpu.memory_space<hbm>>
        tpu.wait_dma2 semaphore(%run_scoped3A_4 : memref<!tpu.dma_semaphore, #tpu.memory_space<semaphore_mem>>) src(%dma_wait3A_69 : memref<6416xi32, #tpu.memory_space<hbm>>) dst(%run_scoped3A_1 : memref<6416xi32, #tpu.memory_space<vmem>>)
      } else {
      }
      %sub3A = arith.constant 0 : i32
      %sub3A_26 = arith.subi %reduce_max3A_23, %sub3A : i32
      %sub3A_27 = arith.constant 16 : i32
      %sub3A_28 = arith.constant 1 : i32
      %sub3A_29 = arith.subi %sub3A_27, %sub3A_28 : i32
      %add3A_30 = arith.addi %sub3A_26, %sub3A_29 : i32
      %div3A = arith.constant 16 : i32
      %div3A_31 = arith.divsi %add3A_30, %div3A : i32
      %while3A = arith.constant 16 : i32
      %while3A_32 = arith.constant 0 : i32
      %while3A_33 = arith.constant 0 : i32
      %while3A_34 = arith.subi %div3A_31, %while3A_33 : i32
      %while3A_35 = arith.addi %while3A_33, %while3A_34 : i32
      %while3A_36 = arith.constant 1 : i32
      %while3A_37 = arith.divsi %while3A_34, %while3A_36 : i32
      %while3A_38 = arith.muli %while3A_37, %while3A_36 : i32
      %while3A_39 = arith.addi %while3A_33, %while3A_38 : i32
      %while3A_40 = arith.constant 1 : i32
      scf.for %while3A_46 = %while3A_33 to %while3A_39 step %while3A_40  : i32 {
        %mul3A_47 = arith.muli %while3A_46, %while3A : i32
        %add3A_48 = arith.addi %while3A_32, %mul3A_47 : i32
        %lt3A = arith.cmpi slt, %add3A_48, %reduce_max3A_23 : i32
        %convert_element_type3A_49 = arith.extui %lt3A : i1 to i32
        %cond3A_50 = arith.constant 0 : i32
        %cond3A_51 = arith.cmpi ne, %convert_element_type3A_49, %cond3A_50 : i32
        scf.if %cond3A_51 {
          %get3A_52 = arith.index_cast %add3A_48 : i32 to index
          %get3A_53 = tpu.vector_load %run_scoped3A[%get3A_52] {strides = array<i32>} : memref<6416xi32, #tpu.memory_space<vmem>>, vector<16xi32>,
          %get3A_54 = arith.index_cast %add3A_48 : i32 to index
          %get3A_55 = tpu.vector_load %run_scoped3A_1[%get3A_54] {strides = array<i32>} : memref<6416xi32, #tpu.memory_space<vmem>>, vector<16xi32>,
          %iota3A = tpu.iota {dimensions = array<i32: 0>} : vector<16xi32>
          %sub3A_56 = arith.subi %reduce_max3A_23, %add3A_48 : i32
          %lt3A_57 = vector.broadcast %sub3A_56 : i32 to vector<16xi32>
          %lt3A_58 = arith.cmpi slt, %iota3A, %lt3A_57 : vector<16xi32>
          %mul3A_59 = arith.constant 512 : i32
          %mul3A_60 = vector.broadcast %mul3A_59 : i32 to vector<16xi32>
          %mul3A_61 = arith.muli %get3A_53, %mul3A_60 : vector<16xi32>
          %add3A_62 = arith.addi %mul3A_61, %get3A_55 : vector<16xi32>
          %jit3A = arith.constant 1073741824 : i32
          %broadcast_in_dim3A = vector.broadcast %jit3A : i32 to vector<16xi32>
          %select_n3A = arith.select %lt3A_58, %add3A_62, %broadcast_in_dim3A : vector<16xi1>, vector<16xi32>
          %reduce_min3A = arith.constant true
          %reduce_min3A_63 = vector.broadcast %reduce_min3A : i1 to vector<16xi1>
          %reduce_min3A_64 = arith.constant -2147483648 : i32
          %reduce_min3A_65 = vector.broadcast %reduce_min3A_64 : i32 to vector<16xi32>
          %reduce_min3A_66 = arith.xori %select_n3A, %reduce_min3A_65 : vector<16xi32>
          %reduce_min3A_67 = tpu.scan <min>, %reduce_min3A_66 masked %reduce_min3A_63 : vector<16xi32>, vector<16xi1> -> vector<16xi32>
          %reduce_min3A_68 = arith.xori %reduce_min3A_67, %reduce_min3A_65 : vector<16xi32>
          %reduce_min3A_69 = vector.extract %reduce_min3A_68[15] : i32 from vector<16xi32>
          %shift_right_arithmetic3A = arith.constant 9 : i32
          %shift_right_arithmetic3A_70 = arith.shrsi %reduce_min3A_69, %shift_right_arithmetic3A : i32
          %broadcast_in_dim3A_71 = vector.broadcast %shift_right_arithmetic3A_70 : i32 to vector<16xi32>
          %select_n3A_72 = arith.select %lt3A_58, %get3A_53, %broadcast_in_dim3A_71 : vector<16xi1>, vector<16xi32>
          %and3A = arith.constant 511 : i32
          %and3A_73 = arith.andi %reduce_min3A_69, %and3A : i32
          %broadcast_in_dim3A_74 = vector.broadcast %and3A_73 : i32 to vector<16xi32>
          %select_n3A_75 = arith.select %lt3A_58, %get3A_55, %broadcast_in_dim3A_74 : vector<16xi1>, vector<16xi32>
          %div3A_76 = arith.constant 16 : i32
          %div3A_77 = arith.divsi %add3A_48, %div3A_76 : i32
          %rem3A = arith.constant 4 : i32
          %rem3A_78 = arith.remsi %div3A_77, %rem3A : i32
          %ge3A = arith.constant 64 : i32
          %ge3A_79 = arith.cmpi sge, %add3A_48, %ge3A : i32
          %convert_element_type3A_80 = arith.extui %ge3A_79 : i1 to i32
          %cond3A_81 = arith.constant 0 : i32
          %cond3A_82 = arith.cmpi ne, %convert_element_type3A_80, %cond3A_81 : i32
          scf.if %cond3A_82 {
            %dma_wait3A_106 = arith.constant 0 : i32
            %dma_wait3A_107 = arith.constant 0 : i32
            %dma_wait3A_108 = tpu.memref_slice %run_scoped3A_3[%rem3A_78, %dma_wait3A_106, %dma_wait3A_107] : memref<4x16x128xf32, #tpu.memory_space<vmem>> -> memref<1x16x128xf32, #tpu.memory_space<vmem>>
            %dma_wait3A_109 = tpu.memref_squeeze %dma_wait3A_108 : memref<1x16x128xf32, #tpu.memory_space<vmem>> -> memref<16x128xf32, #tpu.memory_space<vmem>>
            %dma_wait3A_110 = arith.constant 0 : i32
            %dma_wait3A_111 = arith.constant 0 : i32
            %dma_wait3A_112 = tpu.memref_slice %arg5[%dma_wait3A_110, %dma_wait3A_111] : memref<256x128xf32, #tpu.memory_space<hbm>> -> memref<256x128xf32, #tpu.memory_space<hbm>>
            %dma_wait3A_113 = tpu.memref_slice %run_scoped3A_5[%rem3A_78] : memref<4x!tpu.dma_semaphore, #tpu.memory_space<semaphore_mem>> -> memref<1x!tpu.dma_semaphore, #tpu.memory_space<semaphore_mem>>
            %dma_wait3A_114 = tpu.memref_squeeze %dma_wait3A_113 : memref<1x!tpu.dma_semaphore, #tpu.memory_space<semaphore_mem>> -> memref<!tpu.dma_semaphore, #tpu.memory_space<semaphore_mem>>
            tpu.wait_indirect_dma semaphore(%dma_wait3A_114 : memref<!tpu.dma_semaphore, #tpu.memory_space<semaphore_mem>>) src(%dma_wait3A_112 : memref<256x128xf32, #tpu.memory_space<hbm>>) dst(%dma_wait3A_109 : memref<16x128xf32, #tpu.memory_space<vmem>>)
          } else {
          }
          %dma_start3A_83 = arith.constant 0 : i32
          %dma_start3A_84 = arith.constant 0 : i32
          %dma_start3A_85 = tpu.memref_slice %run_scoped3A_3[%rem3A_78, %dma_start3A_83, %dma_start3A_84] : memref<4x16x128xf32, #tpu.memory_space<vmem>> -> memref<1x16x128xf32, #tpu.memory_space<vmem>>
          %dma_start3A_86 = tpu.memref_squeeze %dma_start3A_85 : memref<1x16x128xf32, #tpu.memory_space<vmem>> -> memref<16x128xf32, #tpu.memory_space<vmem>>
          %dma_start3A_87 = arith.constant 0 : i32
          %dma_start3A_88 = arith.constant 0 : i32
          %dma_start3A_89 = tpu.memref_slice %arg5[%dma_start3A_87, %dma_start3A_88] : memref<256x128xf32, #tpu.memory_space<hbm>> -> memref<256x128xf32, #tpu.memory_space<hbm>>
          tpu.enqueue_indirect_dma source(%dma_start3A_89 : memref<256x128xf32, #tpu.memory_space<hbm>>) target(%dma_start3A_86 : memref<16x128xf32, #tpu.memory_space<vmem>>) offsets(%select_n3A_75 : vector<16xi32>) semaphore(%run_scoped3A_4 : memref<!tpu.dma_semaphore, #tpu.memory_space<semaphore_mem>>)
          %dma_wait3A_90 = arith.constant 0 : i32
          %dma_wait3A_91 = arith.constant 0 : i32
          %dma_wait3A_92 = tpu.memref_slice %run_scoped3A_3[%rem3A_78, %dma_wait3A_90, %dma_wait3A_91] : memref<4x16x128xf32, #tpu.memory_space<vmem>> -> memref<1x16x128xf32, #tpu.memory_space<vmem>>
          %dma_wait3A_93 = tpu.memref_squeeze %dma_wait3A_92 : memref<1x16x128xf32, #tpu.memory_space<vmem>> -> memref<16x128xf32, #tpu.memory_space<vmem>>
          %dma_wait3A_94 = arith.constant 0 : i32
          %dma_wait3A_95 = arith.constant 0 : i32
          %dma_wait3A_96 = tpu.memref_slice %arg5[%dma_wait3A_94, %dma_wait3A_95] : memref<256x128xf32, #tpu.memory_space<hbm>> -> memref<256x128xf32, #tpu.memory_space<hbm>>
          tpu.wait_indirect_dma semaphore(%run_scoped3A_4 : memref<!tpu.dma_semaphore, #tpu.memory_space<semaphore_mem>>) src(%dma_wait3A_96 : memref<256x128xf32, #tpu.memory_space<hbm>>) dst(%dma_wait3A_93 : memref<16x128xf32, #tpu.memory_space<vmem>>)
          %dma_start3A_97 = arith.constant 0 : i32
          %dma_start3A_98 = arith.constant 0 : i32
          %dma_start3A_99 = tpu.memref_slice %run_scoped3A_3[%rem3A_78, %dma_start3A_97, %dma_start3A_98] : memref<4x16x128xf32, #tpu.memory_space<vmem>> -> memref<1x16x128xf32, #tpu.memory_space<vmem>>
          %dma_start3A_100 = tpu.memref_squeeze %dma_start3A_99 : memref<1x16x128xf32, #tpu.memory_space<vmem>> -> memref<16x128xf32, #tpu.memory_space<vmem>>
          %dma_start3A_101 = arith.constant 0 : i32
          %dma_start3A_102 = arith.constant 0 : i32
          %dma_start3A_103 = tpu.memref_slice %arg6[%dma_start3A_101, %dma_start3A_102] : memref<204800x128xf32, #tpu.memory_space<hbm>> -> memref<204800x128xf32, #tpu.memory_space<hbm>>
          %dma_start3A_104 = tpu.memref_slice %run_scoped3A_5[%rem3A_78] : memref<4x!tpu.dma_semaphore, #tpu.memory_space<semaphore_mem>> -> memref<1x!tpu.dma_semaphore, #tpu.memory_space<semaphore_mem>>
          %dma_start3A_105 = tpu.memref_squeeze %dma_start3A_104 : memref<1x!tpu.dma_semaphore, #tpu.memory_space<semaphore_mem>> -> memref<!tpu.dma_semaphore, #tpu.memory_space<semaphore_mem>>
          tpu.enqueue_indirect_dma source(%dma_start3A_100 : memref<16x128xf32, #tpu.memory_space<vmem>>) target(%dma_start3A_103 : memref<204800x128xf32, #tpu.memory_space<hbm>>) offsets(%select_n3A_72 : vector<16xi32>) semaphore(%dma_start3A_105 : memref<!tpu.dma_semaphore, #tpu.memory_space<semaphore_mem>>)
        } else {
        }
      }
      %while3A_41 = arith.constant 1 : i32
      scf.for %while3A_46 = %while3A_39 to %while3A_35 step %while3A_41  : i32 {
        %mul3A_47 = arith.muli %while3A_46, %while3A : i32
        %add3A_48 = arith.addi %while3A_32, %mul3A_47 : i32
        %lt3A = arith.cmpi slt, %add3A_48, %reduce_max3A_23 : i32
        %convert_element_type3A_49 = arith.extui %lt3A : i1 to i32
        %cond3A_50 = arith.constant 0 : i32
        %cond3A_51 = arith.cmpi ne, %convert_element_type3A_49, %cond3A_50 : i32
        scf.if %cond3A_51 {
          %get3A_52 = arith.index_cast %add3A_48 : i32 to index
          %get3A_53 = tpu.vector_load %run_scoped3A[%get3A_52] {strides = array<i32>} : memref<6416xi32, #tpu.memory_space<vmem>>, vector<16xi32>,
          %get3A_54 = arith.index_cast %add3A_48 : i32 to index
          %get3A_55 = tpu.vector_load %run_scoped3A_1[%get3A_54] {strides = array<i32>} : memref<6416xi32, #tpu.memory_space<vmem>>, vector<16xi32>,
          %iota3A = tpu.iota {dimensions = array<i32: 0>} : vector<16xi32>
          %sub3A_56 = arith.subi %reduce_max3A_23, %add3A_48 : i32
          %lt3A_57 = vector.broadcast %sub3A_56 : i32 to vector<16xi32>
          %lt3A_58 = arith.cmpi slt, %iota3A, %lt3A_57 : vector<16xi32>
          %mul3A_59 = arith.constant 512 : i32
          %mul3A_60 = vector.broadcast %mul3A_59 : i32 to vector<16xi32>
          %mul3A_61 = arith.muli %get3A_53, %mul3A_60 : vector<16xi32>
          %add3A_62 = arith.addi %mul3A_61, %get3A_55 : vector<16xi32>
          %jit3A = arith.constant 1073741824 : i32
          %broadcast_in_dim3A = vector.broadcast %jit3A : i32 to vector<16xi32>
          %select_n3A = arith.select %lt3A_58, %add3A_62, %broadcast_in_dim3A : vector<16xi1>, vector<16xi32>
          %reduce_min3A = arith.constant true
          %reduce_min3A_63 = vector.broadcast %reduce_min3A : i1 to vector<16xi1>
          %reduce_min3A_64 = arith.constant -2147483648 : i32
          %reduce_min3A_65 = vector.broadcast %reduce_min3A_64 : i32 to vector<16xi32>
          %reduce_min3A_66 = arith.xori %select_n3A, %reduce_min3A_65 : vector<16xi32>
          %reduce_min3A_67 = tpu.scan <min>, %reduce_min3A_66 masked %reduce_min3A_63 : vector<16xi32>, vector<16xi1> -> vector<16xi32>
          %reduce_min3A_68 = arith.xori %reduce_min3A_67, %reduce_min3A_65 : vector<16xi32>
          %reduce_min3A_69 = vector.extract %reduce_min3A_68[15] : i32 from vector<16xi32>
          %shift_right_arithmetic3A = arith.constant 9 : i32
          %shift_right_arithmetic3A_70 = arith.shrsi %reduce_min3A_69, %shift_right_arithmetic3A : i32
          %broadcast_in_dim3A_71 = vector.broadcast %shift_right_arithmetic3A_70 : i32 to vector<16xi32>
          %select_n3A_72 = arith.select %lt3A_58, %get3A_53, %broadcast_in_dim3A_71 : vector<16xi1>, vector<16xi32>
          %and3A = arith.constant 511 : i32
          %and3A_73 = arith.andi %reduce_min3A_69, %and3A : i32
          %broadcast_in_dim3A_74 = vector.broadcast %and3A_73 : i32 to vector<16xi32>
          %select_n3A_75 = arith.select %lt3A_58, %get3A_55, %broadcast_in_dim3A_74 : vector<16xi1>, vector<16xi32>
          %div3A_76 = arith.constant 16 : i32
          %div3A_77 = arith.divsi %add3A_48, %div3A_76 : i32
          %rem3A = arith.constant 4 : i32
          %rem3A_78 = arith.remsi %div3A_77, %rem3A : i32
          %ge3A = arith.constant 64 : i32
          %ge3A_79 = arith.cmpi sge, %add3A_48, %ge3A : i32
          %convert_element_type3A_80 = arith.extui %ge3A_79 : i1 to i32
          %cond3A_81 = arith.constant 0 : i32
          %cond3A_82 = arith.cmpi ne, %convert_element_type3A_80, %cond3A_81 : i32
          scf.if %cond3A_82 {
            %dma_wait3A_106 = arith.constant 0 : i32
            %dma_wait3A_107 = arith.constant 0 : i32
            %dma_wait3A_108 = tpu.memref_slice %run_scoped3A_3[%rem3A_78, %dma_wait3A_106, %dma_wait3A_107] : memref<4x16x128xf32, #tpu.memory_space<vmem>> -> memref<1x16x128xf32, #tpu.memory_space<vmem>>
            %dma_wait3A_109 = tpu.memref_squeeze %dma_wait3A_108 : memref<1x16x128xf32, #tpu.memory_space<vmem>> -> memref<16x128xf32, #tpu.memory_space<vmem>>
            %dma_wait3A_110 = arith.constant 0 : i32
            %dma_wait3A_111 = arith.constant 0 : i32
            %dma_wait3A_112 = tpu.memref_slice %arg5[%dma_wait3A_110, %dma_wait3A_111] : memref<256x128xf32, #tpu.memory_space<hbm>> -> memref<256x128xf32, #tpu.memory_space<hbm>>
            %dma_wait3A_113 = tpu.memref_slice %run_scoped3A_5[%rem3A_78] : memref<4x!tpu.dma_semaphore, #tpu.memory_space<semaphore_mem>> -> memref<1x!tpu.dma_semaphore, #tpu.memory_space<semaphore_mem>>
            %dma_wait3A_114 = tpu.memref_squeeze %dma_wait3A_113 : memref<1x!tpu.dma_semaphore, #tpu.memory_space<semaphore_mem>> -> memref<!tpu.dma_semaphore, #tpu.memory_space<semaphore_mem>>
            tpu.wait_indirect_dma semaphore(%dma_wait3A_114 : memref<!tpu.dma_semaphore, #tpu.memory_space<semaphore_mem>>) src(%dma_wait3A_112 : memref<256x128xf32, #tpu.memory_space<hbm>>) dst(%dma_wait3A_109 : memref<16x128xf32, #tpu.memory_space<vmem>>)
          } else {
          }
          %dma_start3A_83 = arith.constant 0 : i32
          %dma_start3A_84 = arith.constant 0 : i32
          %dma_start3A_85 = tpu.memref_slice %run_scoped3A_3[%rem3A_78, %dma_start3A_83, %dma_start3A_84] : memref<4x16x128xf32, #tpu.memory_space<vmem>> -> memref<1x16x128xf32, #tpu.memory_space<vmem>>
          %dma_start3A_86 = tpu.memref_squeeze %dma_start3A_85 : memref<1x16x128xf32, #tpu.memory_space<vmem>> -> memref<16x128xf32, #tpu.memory_space<vmem>>
          %dma_start3A_87 = arith.constant 0 : i32
          %dma_start3A_88 = arith.constant 0 : i32
          %dma_start3A_89 = tpu.memref_slice %arg5[%dma_start3A_87, %dma_start3A_88] : memref<256x128xf32, #tpu.memory_space<hbm>> -> memref<256x128xf32, #tpu.memory_space<hbm>>
          tpu.enqueue_indirect_dma source(%dma_start3A_89 : memref<256x128xf32, #tpu.memory_space<hbm>>) target(%dma_start3A_86 : memref<16x128xf32, #tpu.memory_space<vmem>>) offsets(%select_n3A_75 : vector<16xi32>) semaphore(%run_scoped3A_4 : memref<!tpu.dma_semaphore, #tpu.memory_space<semaphore_mem>>)
          %dma_wait3A_90 = arith.constant 0 : i32
          %dma_wait3A_91 = arith.constant 0 : i32
          %dma_wait3A_92 = tpu.memref_slice %run_scoped3A_3[%rem3A_78, %dma_wait3A_90, %dma_wait3A_91] : memref<4x16x128xf32, #tpu.memory_space<vmem>> -> memref<1x16x128xf32, #tpu.memory_space<vmem>>
          %dma_wait3A_93 = tpu.memref_squeeze %dma_wait3A_92 : memref<1x16x128xf32, #tpu.memory_space<vmem>> -> memref<16x128xf32, #tpu.memory_space<vmem>>
          %dma_wait3A_94 = arith.constant 0 : i32
          %dma_wait3A_95 = arith.constant 0 : i32
          %dma_wait3A_96 = tpu.memref_slice %arg5[%dma_wait3A_94, %dma_wait3A_95] : memref<256x128xf32, #tpu.memory_space<hbm>> -> memref<256x128xf32, #tpu.memory_space<hbm>>
          tpu.wait_indirect_dma semaphore(%run_scoped3A_4 : memref<!tpu.dma_semaphore, #tpu.memory_space<semaphore_mem>>) src(%dma_wait3A_96 : memref<256x128xf32, #tpu.memory_space<hbm>>) dst(%dma_wait3A_93 : memref<16x128xf32, #tpu.memory_space<vmem>>)
          %dma_start3A_97 = arith.constant 0 : i32
          %dma_start3A_98 = arith.constant 0 : i32
          %dma_start3A_99 = tpu.memref_slice %run_scoped3A_3[%rem3A_78, %dma_start3A_97, %dma_start3A_98] : memref<4x16x128xf32, #tpu.memory_space<vmem>> -> memref<1x16x128xf32, #tpu.memory_space<vmem>>
          %dma_start3A_100 = tpu.memref_squeeze %dma_start3A_99 : memref<1x16x128xf32, #tpu.memory_space<vmem>> -> memref<16x128xf32, #tpu.memory_space<vmem>>
          %dma_start3A_101 = arith.constant 0 : i32
          %dma_start3A_102 = arith.constant 0 : i32
          %dma_start3A_103 = tpu.memref_slice %arg6[%dma_start3A_101, %dma_start3A_102] : memref<204800x128xf32, #tpu.memory_space<hbm>> -> memref<204800x128xf32, #tpu.memory_space<hbm>>
          %dma_start3A_104 = tpu.memref_slice %run_scoped3A_5[%rem3A_78] : memref<4x!tpu.dma_semaphore, #tpu.memory_space<semaphore_mem>> -> memref<1x!tpu.dma_semaphore, #tpu.memory_space<semaphore_mem>>
          %dma_start3A_105 = tpu.memref_squeeze %dma_start3A_104 : memref<1x!tpu.dma_semaphore, #tpu.memory_space<semaphore_mem>> -> memref<!tpu.dma_semaphore, #tpu.memory_space<semaphore_mem>>
          tpu.enqueue_indirect_dma source(%dma_start3A_100 : memref<16x128xf32, #tpu.memory_space<vmem>>) target(%dma_start3A_103 : memref<204800x128xf32, #tpu.memory_space<hbm>>) offsets(%select_n3A_72 : vector<16xi32>) semaphore(%dma_start3A_105 : memref<!tpu.dma_semaphore, #tpu.memory_space<semaphore_mem>>)
        } else {
        }
      }
      %scan3A = arith.constant 0 : i32
      %scan3A_42 = arith.constant 4 : i32
      %scan3A_43 = arith.addi %scan3A, %scan3A_42 : i32
      %scan3A_44 = arith.constant 1 : i32
      scf.for %scan3A_46 = %scan3A to %scan3A_43 step %scan3A_44  : i32 {
        %mul3A_47 = arith.constant 1 : i32
        %mul3A_48 = arith.muli %scan3A_46, %mul3A_47 : i32
        %add3A_49 = arith.constant 0 : i32
        %add3A_50 = arith.addi %add3A_49, %mul3A_48 : i32
        %mul3A_51 = arith.constant 16 : i32
        %mul3A_52 = arith.muli %add3A_50, %mul3A_51 : i32
        %gt3A_53 = arith.cmpi sgt, %reduce_max3A_23, %mul3A_52 : i32
        %convert_element_type3A_54 = arith.extui %gt3A_53 : i1 to i32
        %cond3A_55 = arith.constant 0 : i32
        %cond3A_56 = arith.cmpi ne, %convert_element_type3A_54, %cond3A_55 : i32
        scf.if %cond3A_56 {
          %dma_wait3A_57 = arith.constant 0 : i32
          %dma_wait3A_58 = arith.constant 0 : i32
          %dma_wait3A_59 = tpu.memref_slice %run_scoped3A_3[%add3A_50, %dma_wait3A_57, %dma_wait3A_58] : memref<4x16x128xf32, #tpu.memory_space<vmem>> -> memref<1x16x128xf32, #tpu.memory_space<vmem>>
          %dma_wait3A_60 = tpu.memref_squeeze %dma_wait3A_59 : memref<1x16x128xf32, #tpu.memory_space<vmem>> -> memref<16x128xf32, #tpu.memory_space<vmem>>
          %dma_wait3A_61 = arith.constant 0 : i32
          %dma_wait3A_62 = arith.constant 0 : i32
          %dma_wait3A_63 = tpu.memref_slice %arg5[%dma_wait3A_61, %dma_wait3A_62] : memref<256x128xf32, #tpu.memory_space<hbm>> -> memref<16x128xf32, #tpu.memory_space<hbm>>
          %dma_wait3A_64 = tpu.memref_slice %run_scoped3A_5[%add3A_50] : memref<4x!tpu.dma_semaphore, #tpu.memory_space<semaphore_mem>> -> memref<1x!tpu.dma_semaphore, #tpu.memory_space<semaphore_mem>>
          %dma_wait3A_65 = tpu.memref_squeeze %dma_wait3A_64 : memref<1x!tpu.dma_semaphore, #tpu.memory_space<semaphore_mem>> -> memref<!tpu.dma_semaphore, #tpu.memory_space<semaphore_mem>>
          %dma_wait3A_66 = arith.constant 0 : i32
          %dma_wait3A_67 = arith.constant 0 : i32
          %dma_wait3A_68 = tpu.memref_slice %run_scoped3A_3[%add3A_50, %dma_wait3A_66, %dma_wait3A_67] : memref<4x16x128xf32, #tpu.memory_space<vmem>> -> memref<1x16x128xf32, #tpu.memory_space<vmem>>
          %dma_wait3A_69 = tpu.memref_squeeze %dma_wait3A_68 : memref<1x16x128xf32, #tpu.memory_space<vmem>> -> memref<16x128xf32, #tpu.memory_space<vmem>>
          %dma_wait3A_70 = arith.constant 0 : i32
          %dma_wait3A_71 = arith.constant 0 : i32
          %dma_wait3A_72 = tpu.memref_slice %arg5[%dma_wait3A_70, %dma_wait3A_71] : memref<256x128xf32, #tpu.memory_space<hbm>> -> memref<16x128xf32, #tpu.memory_space<hbm>>
          tpu.wait_dma2 semaphore(%dma_wait3A_65 : memref<!tpu.dma_semaphore, #tpu.memory_space<semaphore_mem>>) src(%dma_wait3A_72 : memref<16x128xf32, #tpu.memory_space<hbm>>) dst(%dma_wait3A_69 : memref<16x128xf32, #tpu.memory_space<vmem>>)
        } else {
        }
      }
      %scan3A_45 = arith.constant 4 : i32
      tpu.yield
    }) : () -> ()
    return
  }
}

module attributes {stable_mosaic.version = 14 : i64} {
  func.func @_mm_body(%arg0: i32, %arg1: memref<4096x256xf32, #tpu.memory_space<vmem>>, %arg2: memref<4096x128xf32, #tpu.memory_space<vmem>>, %arg3: memref<256x1xf32, #tpu.memory_space<vmem>>, %arg4: memref<256x128xf32, #tpu.memory_space<vmem>>) attributes {dimension_semantics = [#tpu.dimension_semantics<arbitrary>], iteration_bounds = array<i64: 25>, scalar_prefetch = 0 : i64, scratch_operands = 0 : i64, tpu.core_type = #tpu.core_type<tc>, window_params = [{transform_indices = @transform_0, window_bounds = array<i64: 4096, 256>}, {transform_indices = @transform_1, window_bounds = array<i64: 4096, 128>}, {pipeline_mode = #tpu.pipeline_mode<synchronous>, transform_indices = @transform_2, window_bounds = array<i64: 256, 1>}, {pipeline_mode = #tpu.pipeline_mode<synchronous>, transform_indices = @transform_3, window_bounds = array<i64: 256, 128>}]} {
    %eq3A = arith.constant 0 : i32
    %eq3A_0 = arith.cmpi eq, %arg0, %eq3A : i32
    %convert_element_type3A = arith.extui %eq3A_0 : i1 to i32
    %cond3A = arith.constant 0 : i32
    %cond3A_1 = arith.cmpi ne, %convert_element_type3A, %cond3A : i32
    scf.if %cond3A_1 {
      %get3A = arith.constant 0 : index
      %get3A_11 = arith.constant 0 : index
      %get3A_12 = vector.load %arg3[%get3A, %get3A_11] : memref<256x1xf32, #tpu.memory_space<vmem>>, vector<256x1xf32>
      %broadcast_in_dim3A = vector.shape_cast %get3A_12 : vector<256x1xf32> to vector<256x1xf32>
      %broadcast_in_dim3A_13 = vector.broadcast %broadcast_in_dim3A : vector<256x1xf32> to vector<256x128xf32>
      %swap3A = arith.constant 0 : index
      %swap3A_14 = arith.constant 0 : index
      %swap3A_15 = vector.load %arg4[%swap3A, %swap3A_14] : memref<256x128xf32, #tpu.memory_space<vmem>>, vector<256x128xf32>
      tpu.vector_store %arg4[%swap3A, %swap3A_14], %broadcast_in_dim3A_13 {strides = array<i32>} : memref<256x128xf32, #tpu.memory_space<vmem>>, vector<256x128xf32>,
    } else {
    }
    %ne3A = arith.constant 24 : i32
    %ne3A_2 = arith.cmpi ne, %arg0, %ne3A : i32
    %convert_element_type3A_3 = arith.extui %ne3A_2 : i1 to i32
    %cond3A_4 = arith.constant 0 : i32
    %cond3A_5 = arith.cmpi ne, %convert_element_type3A_3, %cond3A_4 : i32
    scf.if %cond3A_5 {
      %get3A = arith.constant 0 : index
      %get3A_11 = arith.constant 0 : index
      %get3A_12 = vector.load %arg4[%get3A, %get3A_11] : memref<256x128xf32, #tpu.memory_space<vmem>>, vector<256x128xf32>
      %get3A_13 = arith.constant 0 : index
      %get3A_14 = arith.constant 0 : index
      %get3A_15 = vector.load %arg1[%get3A_13, %get3A_14] : memref<4096x256xf32, #tpu.memory_space<vmem>>, vector<4096x256xf32>
      %get3A_16 = arith.constant 0 : index
      %get3A_17 = arith.constant 0 : index
      %get3A_18 = vector.load %arg2[%get3A_16, %get3A_17] : memref<4096x128xf32, #tpu.memory_space<vmem>>, vector<4096x128xf32>
      %dot_general3A = arith.constant dense<0.000000e+00> : vector<256x128xf32>
      %dot_general3A_19 = tpu.matmul %get3A_15, %get3A_18, %dot_general3A {dimension_numbers = #tpu.dot_dimension_numbers<[0], [0], [1], [1], [0, 1, 1, 1], [], []>, transpose_lhs_hint = false} : vector<4096x256xf32>, vector<4096x128xf32>, vector<256x128xf32> -> vector<256x128xf32>
      %add3A = arith.addf %get3A_12, %dot_general3A_19 : vector<256x128xf32>
      %swap3A = arith.constant 0 : index
      %swap3A_20 = arith.constant 0 : index
      %swap3A_21 = vector.load %arg4[%swap3A, %swap3A_20] : memref<256x128xf32, #tpu.memory_space<vmem>>, vector<256x128xf32>
      tpu.vector_store %arg4[%swap3A, %swap3A_20], %add3A {strides = array<i32>} : memref<256x128xf32, #tpu.memory_space<vmem>>, vector<256x128xf32>,
    } else {
    }
    %eq3A_6 = arith.constant 24 : i32
    %eq3A_7 = arith.cmpi eq, %arg0, %eq3A_6 : i32
    %convert_element_type3A_8 = arith.extui %eq3A_7 : i1 to i32
    %cond3A_9 = arith.constant 0 : i32
    %cond3A_10 = arith.cmpi ne, %convert_element_type3A_8, %cond3A_9 : i32
    scf.if %cond3A_10 {
      %iota3A = tpu.iota {dimensions = array<i32: 0>} : vector<4096x128xi32>
      %lt3A = arith.constant 1696 : i32
      %lt3A_11 = vector.broadcast %lt3A : i32 to vector<4096x128xi32>
      %lt3A_12 = arith.cmpi slt, %iota3A, %lt3A_11 : vector<4096x128xi32>
      %get3A = arith.constant 0 : index
      %get3A_13 = arith.constant 0 : index
      %get3A_14 = vector.load %arg2[%get3A, %get3A_13] : memref<4096x128xf32, #tpu.memory_space<vmem>>, vector<4096x128xf32>
      %jit3A = arith.constant 0.000000e+00 : f32
      %broadcast_in_dim3A = vector.broadcast %jit3A : f32 to vector<4096x128xf32>
      %select_n3A = arith.select %lt3A_12, %get3A_14, %broadcast_in_dim3A : vector<4096x128xi1>, vector<4096x128xf32>
      %iota3A_15 = tpu.iota {dimensions = array<i32: 0>} : vector<4096x256xi32>
      %lt3A_16 = arith.constant 1696 : i32
      %lt3A_17 = vector.broadcast %lt3A_16 : i32 to vector<4096x256xi32>
      %lt3A_18 = arith.cmpi slt, %iota3A_15, %lt3A_17 : vector<4096x256xi32>
      %get3A_19 = arith.constant 0 : index
      %get3A_20 = arith.constant 0 : index
      %get3A_21 = vector.load %arg1[%get3A_19, %get3A_20] : memref<4096x256xf32, #tpu.memory_space<vmem>>, vector<4096x256xf32>
      %jit3A_22 = arith.constant 0.000000e+00 : f32
      %broadcast_in_dim3A_23 = vector.broadcast %jit3A_22 : f32 to vector<4096x256xf32>
      %select_n3A_24 = arith.select %lt3A_18, %get3A_21, %broadcast_in_dim3A_23 : vector<4096x256xi1>, vector<4096x256xf32>
      %get3A_25 = arith.constant 0 : index
      %get3A_26 = arith.constant 0 : index
      %get3A_27 = vector.load %arg4[%get3A_25, %get3A_26] : memref<256x128xf32, #tpu.memory_space<vmem>>, vector<256x128xf32>
      %dot_general3A = arith.constant dense<0.000000e+00> : vector<256x128xf32>
      %dot_general3A_28 = tpu.matmul %select_n3A_24, %select_n3A, %dot_general3A {dimension_numbers = #tpu.dot_dimension_numbers<[0], [0], [1], [1], [0, 1, 1, 1], [], []>, transpose_lhs_hint = false} : vector<4096x256xf32>, vector<4096x128xf32>, vector<256x128xf32> -> vector<256x128xf32>
      %add3A = arith.addf %get3A_27, %dot_general3A_28 : vector<256x128xf32>
      %swap3A = arith.constant 0 : index
      %swap3A_29 = arith.constant 0 : index
      %swap3A_30 = vector.load %arg4[%swap3A, %swap3A_29] : memref<256x128xf32, #tpu.memory_space<vmem>>, vector<256x128xf32>
      tpu.vector_store %arg4[%swap3A, %swap3A_29], %add3A {strides = array<i32>} : memref<256x128xf32, #tpu.memory_space<vmem>>, vector<256x128xf32>,
    } else {
    }
    return
  }
  func.func @transform_0(%arg0: i32) -> (i32, i32) {
    %c0_i32 = arith.constant 0 : i32
    %c0_i32_0 = arith.constant 0 : i32
    return %arg0, %c0_i32 : i32, i32
  }
  func.func @transform_1(%arg0: i32) -> (i32, i32) {
    %c0_i32 = arith.constant 0 : i32
    %c0_i32_0 = arith.constant 0 : i32
    return %arg0, %c0_i32 : i32, i32
  }
  func.func @transform_2(%arg0: i32) -> (i32, i32) {
    %c0_i32 = arith.constant 0 : i32
    %c0_i32_0 = arith.constant 0 : i32
    %c0_i32_1 = arith.constant 0 : i32
    return %c0_i32, %c0_i32_0 : i32, i32
  }
  func.func @transform_3(%arg0: i32) -> (i32, i32) {
    %c0_i32 = arith.constant 0 : i32
    %c0_i32_0 = arith.constant 0 : i32
    %c0_i32_1 = arith.constant 0 : i32
    return %c0_i32, %c0_i32_0 : i32, i32
  }
}

</mosaic_0001>

<sc_bundles>
// kernel: _.3.cloned.1.call-start
scs
__scs_entry_jumppad:
0x0: {  	(pc) =	sbr.rel $0x88, $3  }
0x1: {  	(tag) =	ssettag $0x0;
	lr =	simm.s32 $0x1  }
0x2: {  	[smem:$0x3F9D] =	sst lr;
	_ =	strace $0xD0000000  }
0x3: {  	_ = 	snop  }
0x4: {  	_ = 	snop  }
0x5: {  	_ = 	snop  }
0x6: {  	_ = 	snop  }
0x7: {  	_ = 	snop  }
__scs_overlays_trampoline_lowered:
0x8: {  	[smem:$0x3FAC] =	sst s0  }
0x9: {  	[smem:$0x3FAD] =	sst s1  }
0xa: {  	[smem:$0x3FAE] =	sst s2  }
0xb: {  	[smem:$0x3FAF] =	sst s3  }
0xc: {  	[smem:$0x3FB0] =	sst s4  }
0xd: {  	[smem:$0x3FB1] =	sst s5  }
0xe: {  	[smem:$0x3FB2] =	sst s6  }
0xf: {  	[smem:$0x3FB3] =	sst s7  }
0x10: {  	[smem:$0x3FB4] =	sst s8  }
0x11: {  	[smem:$0x3FB5] =	sst s9;
	s0 =	simm.s32 @!p0 $0x0  }
0x12: {  	s1 =	sld [smem:$0x3F9B];
	s0 =	simm.s32 @p0 $0x1  }
0x13: {  	[smem:$0x3FB6] =	sst s0;
	s0 =	simm.s32 @!p1 $0x0  }
0x14: {  	s2 =	sld [smem:$0x3F9A];
	s0 =	simm.s32 @p1 $0x1  }
0x15: {  	[smem:$0x3FB7] =	sst s0;
	s0 =	simm.s32 @!p2 $0x0  }
0x16: {  	s3 =	sld [smem:$0x3FDB];
	s0 =	simm.s32 @p2 $0x1  }
0x17: {  	s4 =	simm.s32 $0x1BF5;
	[smem:$0x3FB9] =	sst s0  }
0x18: {  	s0 =	sld [smem:$0x3F9C];
	_ =	swait.ge [sflag:s4], $0x0  }
0x19: {  	s7 =	sld [smem:$0x3F9D]  }
0x1a: {  	s8 =	sadd.s32 $0xFFFFE003, lr  }
0x1b: {  	s9 =	sadd.s32 $0xFFFFFEF7, lr;
	s5 =	simm.s32 $0xFFFFFFFF;
	p2 =	slt.u32 s8, $0xFFFFF086  }
0x1c: {  	p1 =	slt.u32 s9, $0xF7A;
	s5 =	simm.s32 @!p2 $0x0  }
0x1d: {  	s5 =	simm.s32 @p1 $0x1;
	p0 =	seq.s32 s7, s2  }
0x1e: {  	s7 =	smul.u32 @!p0 $0xF7A, s2;
	p2 =	seq.s32 @!p0 s5, $0x0  }
0x1f: {  	s9 =	smul.u32 $0xF7A, s1;
	s8 =	simm.s32 @!p0 $0x1BF5;
	p2 =	por !p2, p0  }
0x20: {  	[sflag:s8] =	ssyncset.s32 @!p0 $0xFFFFF086;
	s6 =	sadd.s32 @!p0 s3, s7;
	s7 =	simm.s32 @!p0 $0x108  }
0x21: {  	s3 =	sadd.s32 s3, s9;
	s6 =	sadd.s32 @!p0 $0x88, s6;
	s7 =	simm.s32 @p2 $0x1082  }
0x22: {  	[simem:s7], [sflag:s8] =	dma.local @!p0 [hbm:s6], $0xF7A  }
0x23: {  	s9 =	sor.u32 $0xD0000000, s2;
	s6 =	simm.s32 $0x108;
	_ =	swait.ge @!p0 [sflag:s8], $0x0  }
0x24: {  	s3 =	sadd.s32 $0x88, s3;
	s6 =	simm.s32 @!p1 $0x1082;
	[sflag:s4] =	ssyncset.s32 $0xFFFFF086  }
0x25: {  	[simem:s6], [sflag:s4] =	dma.local [hbm:s3], $0xF7A  }
0x26: {  	[smem:$0x3F9D] =	sst s1;
	(tag) =	ssettag s2;
	_ =	strace s9  }
0x27: {  	s1 =	sld [smem:$0x3FAD]  }
0x28: {  	s2 =	sld [smem:$0x3FAE]  }
0x29: {  	s4 =	sld [smem:$0x3FB0]  }
0x2a: {  	p0 =	seq.s32 s5, $0x0;
	s5 =	sld [smem:$0x3FB1]  }
0x2b: {  	s6 =	sld [smem:$0x3FB2]  }
0x2c: {  	s7 =	sld [smem:$0x3FB3]  }
0x2d: {  	s3 =	simm.s32 $0x108;
	s8 =	sld [smem:$0x3FB4]  }
0x2e: {  	s3 =	simm.s32 @!p0 $0x1082;
	s9 =	sld [smem:$0x3FB5]  }
0x2f: {  	lr =	sadd.s32 s0, s3;
	s0 =	sld [smem:$0x3FAC]  }
0x30: {  	s3 =	sld [smem:$0x3FAF]  }
0x31: {  	[smem:$0x3FB8] =	sst s10  }
0x32: {  	s10 =	sld [smem:$0x3FB6];
	_ =	sdelay $0x3  }
0x33: {  	p0 =	seq.s32 s10, $0x1;
	s10 =	sld [smem:$0x3FB8];
	_ =	sdelay $0x3  }
0x34: {  	[smem:$0x3FB8] =	sst s10  }
0x35: {  	s10 =	sld [smem:$0x3FB7];
	_ =	sdelay $0x3  }
0x36: {  	p1 =	seq.s32 s10, $0x1;
	s10 =	sld [smem:$0x3FB8];
	_ =	sdelay $0x3  }
0x37: {  	[smem:$0x3FB8] =	sst s10  }
0x38: {  	s10 =	sld [smem:$0x3FB9]  }
0x39: {  	_ = 	snop;
	(pc) =	sbr.ind lr, $3  }
0x3a: {  	_ = 	snop  }
0x3b: {  	_ = 	snop  }
0x3c: {  	p2 =	seq.s32 s10, $0x1;
	s10 =	sld [smem:$0x3FB8]  }
0x3d: {  	_ =	shalt  }
0x3e: {  	_ =	shalt  }
0x3f: {  	_ =	shalt  }
0x40: {  	_ =	shalt  }
0x41: {  	_ =	shalt  }
0x42: {  	_ =	shalt  }
0x43: {  	_ =	shalt  }
0x44: {  	_ =	shalt  }
0x45: {  	_ =	shalt  }
0x46: {  	_ =	shalt  }
0x47: {  	_ =	shalt  }
0x48: {  	_ =	shalt  }
0x49: {  	_ =	shalt  }
0x4a: {  	_ =	shalt  }
0x4b: {  	_ =	shalt  }
0x4c: {  	_ =	shalt  }
0x4d: {  	_ =	shalt  }
0x4e: {  	_ =	shalt  }
0x4f: {  	_ =	shalt  }
0x50: {  	_ =	shalt  }
0x51: {  	_ =	shalt  }
0x52: {  	_ =	shalt  }
0x53: {  	_ =	shalt  }
0x54: {  	_ =	shalt  }
0x55: {  	_ =	shalt  }
0x56: {  	_ =	shalt  }
0x57: {  	_ =	shalt  }
0x58: {  	_ =	shalt  }
0x59: {  	_ =	shalt  }
0x5a: {  	_ =	shalt  }
0x5b: {  	_ =	shalt  }
0x5c: {  	_ =	shalt  }
0x5d: {  	_ =	shalt  }
0x5e: {  	_ =	shalt  }
0x5f: {  	_ =	shalt  }
0x60: {  	_ =	shalt  }
0x61: {  	_ =	shalt  }
0x62: {  	_ =	shalt  }
0x63: {  	_ =	shalt  }
0x64: {  	_ =	shalt  }
0x65: {  	_ =	shalt  }
0x66: {  	_ =	shalt  }
0x67: {  	_ =	shalt  }
0x68: {  	_ =	shalt  }
0x69: {  	_ =	shalt  }
0x6a: {  	_ =	shalt  }
0x6b: {  	_ =	shalt  }
0x6c: {  	_ =	shalt  }
0x6d: {  	_ =	shalt  }
0x6e: {  	_ =	shalt  }
0x6f: {  	_ =	shalt  }
0x70: {  	_ =	shalt  }
0x71: {  	_ =	shalt  }
0x72: {  	_ =	shalt  }
0x73: {  	_ =	shalt  }
0x74: {  	_ =	shalt  }
0x75: {  	_ =	shalt  }
0x76: {  	_ =	shalt  }
0x77: {  	_ =	shalt  }
0x78: {  	_ =	shalt  }
0x79: {  	_ =	shalt  }
0x7a: {  	_ =	shalt  }
0x7b: {  	_ =	shalt  }
0x7c: {  	_ =	shalt  }
0x7d: {  	_ =	shalt  }
0x7e: {  	_ =	shalt  }
0x7f: {  	_ =	shalt  }
0x80: {  	_ =	shalt  }
0x81: {  	_ =	shalt  }
0x82: {  	_ =	shalt  }
0x83: {  	_ =	shalt  }
0x84: {  	_ =	shalt  }
0x85: {  	_ =	shalt  }
0x86: {  	_ =	shalt  }
0x87: {  	_ =	shalt  }
.Lfunc_end0:
.L_simem_size_0:
called_computation.1_lowered:
.L_overlay_start_0:
0x88: {  	s2 =	sld [smem:$0x3FD9]  }
0x89: {  	s3 =	sld [smem:$0x3FFE];
	_ =	sdelay $0x1  }
0x8a: {  	s1 =	srdreg.scid  }
0x8b: {  	s0 =	sand.u32 $0x1, s1  }
0x8c: {  	s17 =	sshll.u32 s0, $0xA;
	s2 =	sadd.s32 s3, s2  }
0x8d: {  	s2 =	sadd.s32 s2, s17  }
0x8e: {  	[smem:$0x3FC4] =	sst s2  }
0x8f: {  	_ = 	snop  }
0x90: {  	s2 =	sld [smem:$0x3FD0];
	(tm) =	ssettm $0x1  }
0x91: {  	s18 =	sld [smem:$0x3FFB];
	_ =	sdelay $0x3  }
0x92: {  	_ =	strace s18  }
0x93: {  	s3 =	sld [smem:$0x3FFC];
	_ =	sdelay $0x3  }
0x94: {  	_ =	strace s3  }
0x95: {  	s3 =	sld [smem:$0x3FFD];
	_ =	sdelay $0x3  }
0x96: {  	_ =	strace s3  }
0x97: {  	_ =	strace $0x8FFFFFFF  }
0x98: {  	s19 =	sld [smem:$0x3FDB];
	_ =	sdelay $0x1  }
0x99: {  	s4 =	simm.s32 $_scs_section_size  }
0x9a: {  	s5 =	simm.s32 $_size__tile_overlayer_lowered;
	s6 =	simm.s32 $_tile_overlayer_lowered  }
0x9b: {  	s22 =	simm.s32 $0x1BFF;
	s21 =	sshll.u32 s6, $0x1;
	s3 =	sadd.s32 s4, s19  }
0x9c: {  	s7 =	simm.s32 $0x0;
	s20 =	sshll.u32 s5, $0x1;
	s5 =	sadd.s32 s21, s3  }
0x9d: {  	[timem:s7], [sflag:s22] =	dma.local [hbm:s5], s20  }
0x9e: {  	_ =	swait.ge [sflag:s22], s20  }
0x9f: {  	s4 =	ssub.s32 $0x0, s20;
	[sflag:s22] =	ssyncset.done $0x0  }
0xa0: {  	[sflag:s22] =	ssyncadd.s32 s4;
	_ =	sdelay $0x1  }
0xa1: {  	s23 =	simm.s32 $0x1B8B  }
0xa2: {  	_ =	swait.ge [sflag:s23], $0x1  }
0xa3: {  	[sflag:s23] =	ssyncset.done $0x0  }
0xa4: {  	s25 =	simm.s32 $0x1B8E;
	s24 =	sld [smem:$0x3FFE];
	[sflag:s23] =	ssyncadd.s32 $0xFFFFFFFF  }
0xa5: {  	s26 =	simm.s32 $execute0_lowered;
	[smem:$0x3FD2] =	sst s25  }
0xa6: {  	s5 =	sshll.u32 s26, $0x1;
	_ =	strace $0x80000050;
	[dreg:$0x1] =	wrdreg $0xFFFFFFFF  }
0xa7: {  	s28 =	simm.s32 $_size_execute0_lowered;
	s3 =	sadd.s32 s3, s5;
	[dreg:$0x0] =	wrdreg $0x0  }
0xa8: {  	s5 =	sshll.u32 s28, $0x1;
	[dreg:$0x2] =	wrdreg s3  }
0xa9: {  	[dreg:$0x3] =	wrdreg s5  }
0xaa: {  	[dreg:$0x4] =	wrdreg $0xC0  }
0xab: {  	_ =	task [dreg:s7], $0x5FFFF  }
0xac: {  	[dreg:$0x1] =	wrdreg $0xFFFFFFFF  }
0xad: {  	[dreg:$0x0] =	wrdreg $0x60  }
0xae: {  	[dreg:$0x2] =	wrdreg s24  }
0xaf: {  	[dreg:$0x3] =	wrdreg s2  }
0xb0: {  	[dreg:$0x4] =	wrdreg $0x9  }
0xb1: {  	_ =	task.clear_ibuf [dreg:s7], $0x5FFFF;
	_ =	strace $0x90000050  }
0xb2: {  	s29 =	simm.s32 $0x9;
	_ =	strace $0x80000052  }
0xb3: {  	_ =	swait.ge [sflag:s29], $0x1  }
0xb4: {  	[sflag:s29] =	ssyncadd.s32 $0xFFFFFFFF  }
0xb5: {  	_ =	strace $0x90000052  }
0xb6: {  	_ =	sfence  }
0xb7: {  	s30 =	sld [smem:$0x0];
	_ =	sdelay $0x2  }
0xb8: {  	s31 =	sshll.u32 s1, $0xD;
	s1 =	sshrl.u32 s1, $0x2  }
0xb9: {  	s3 =	sand.u32 $0x4000, s31;
	s1 =	sadd.s32 s1, s30  }
0xba: {  	s0 =	sor.u32 s3, s0;
	s1 =	sshll.u32 s1, $0x11  }
0xbb: {  	s0 =	sor.u32 s1, s0  }
0xbc: {  	s0 =	sadd.s32 $0x8F2B, s0  }
0xbd: {  	[sflag:s0] =	ssyncadd.remote.s32 $0x1  }
0xbe: {  	_ =	sfence.sel $0xFFFF  }
0xbf: {  	[dreg:$0x0] =	wrdreg $0xFFFFFFFF;
	(pc) =	sbr.abs _section_cstart, $3  }
0xc0: {  	[dreg:$0x1] =	wrdreg $0xFFFFFFFF  }
0xc1: {  	_ =	task.clear_ibuf [dreg:s7], $0x2FFFF;
	_ =	strace $0x9FFFFFFF  }
0xc2: {  	(tm) =	ssettm $0x7FFFFFFF  }
0xc3: {  	_ =	shalt  }
tec
execute0_lowered:
.L_overlay_start_1:
0x0: {  	(tag) =	ssettag $0x1  }
0x1: {  	s4 =	rddreg [dreg:$0x0]  }
0x2: {  	s2 =	rddreg [dreg:$0x1]  }
0x3: {  	s0 =	rddreg [dreg:$0x2];
	s3 =	simm.s32 $0x0  }
0x4: {  	s5 =	srdreg.scid;
	s1 =	stileid.u32;
	s10 =	simm.s32 $0x1  }
0x5: {  	s11 =	simm.s32 $0x0;
	s5 =	sand.u32 $0x1, s5;
	s6 =	sshrl.u32 s1, $0x2  }
0x6: {  	s7 =	sshll.u32 s1, $0x8;
	[smem:$0x7FF] =	sst s3;
	s8 =	sshll.u32 s5, $0x7  }
0x7: {  	s7 =	sand.u32 $0x300, s7;
	s9 =	smul.u32 $0xCC00, s6;
	s6 =	sshll.u32 s6, $0xA  }
0x8: {  	_ =	strace $0x80000051;
	s5 =	ssub.s32 $0x2, s5;
	s7 =	sor.u32 s8, s7  }
.Ltmp0:
0x9: {  	s31 =	sshrl.u32 s5, $0x1;
	s6 =	sor.u32 s6, s7;
	(pc) =	sbr.rel .LBB2_1-.Ltmp0, $4  }
0xa: {  	s7 =	sor.u32 s9, s7;
	s8 =	ssub.s32 s5, s31;
	s9 =	simm.s32 $0x3300  }
0xb: {  	s6 =	sshrl.u32 s6, $0x3;
	s7 =	sshrl.u32 s7, $0x3;
	s8 =	smax.u32 s8, $0x1  }
0xc: {  	s6 =	sadd.s32 s6, s4;
	s7 =	sadd.s32 s7, s4;
	s4 =	sadd.s32 $0x14200, s4  }
0xd: {  	s5 =	sadd.s32 $0x7400, s6;
	s6 =	sadd.s32 $0x7600, s7;
	s7 =	sadd.s32 $0xDC00, s7  }
.LBB2_3:
0xe: {  	s14 =	simm.s32 $0x0;
	s13 =	simm.s32 $0x0  }
.LBB2_6:
0xf: {  	_ =	sdelay $0x2  }
0x10: {  	p1 =	por p1, !p3  }
0x11: {  	[hbm4b:s2+s20] =	stream.indirect_vreg.scatter @!p1 [tilespmem:s22], [sflag:s21], $0x80, v2, vm0, $0xb8;
	[tilespmem:$0x5380] =	vst v63  }
0x12: {  	p1 =	por p2, p2  }
0x13: {  	v2 =	vld @!p1 [tilespmem:s14+$0x0]  }
0x14: {  	v3 =	vld @!p1 [tilespmem:s16+$0x0];
	_ =	sdelay $0x3  }
0x15: {  	v4 =	vshll.u32 @!p1 v2, $0x9  }
0x16: {  	v4 =	vadd.s32 @!p1 v3, v4  }
0x17: {  	vm0 =	vgt.s32 @!p1 v0, v1;
	v0 =	vxor.u32 @!p1 $0x80000000, v4  }
0x18: {  	v0 =	vnsel @!p1 vm0, $0xC0000000, v0  }
0x19: {  	(xrf0) =	vmin.scan.msk.u32 @!p1 $0xffff, v0;
	_ =	sdelay $0x5  }
0x1a: {  	v0, _, _ =	vpop @!p2 (xrf0)  }
0x1b: {  	(v2sf) =	vpush @!p1 v0, $0xF;
	_ =	sdelay $0xe  }
0x1c: {  	s14 =	spop @!p2 (v2sf)  }
0x1d: {  	s15 =	sand.u32 @!p1 $0x1FF, s14  }
0x1e: {  	s13 =	sand.u32 @!p1 $0x3, s13;
	p0 =	por p0, p1;
	v0 =	vnsel @!p1 vm0, s15, v3  }
0x1f: {  	s15 =	sadd.s32 @!p0 $0x2, s13  }
0x20: {  	s17 =	simm.s32 @!p1 $0x0;
	s14 =	sshra.s32 @!p1 s14, $0x9;
	_ =	swait.ge @!p0 [sflag:s15], $0x800  }
0x21: {  	s16 =	sshll.u32 @!p1 s13, $0xB;
	s14 =	sxor.u32 @!p1 $0xFFC00000, s14;
	[sflag:s15] =	ssyncset.done @!p0 $0x0  }
0x22: {  	v1 =	vnsel @!p1 vm0, s14, v2;
	s14 =	simm.s32 @!p1 $0x1;
	vm0 =	vmmov @!p1 $0xffff;
	[sflag:s15] =	ssyncadd.s32 @!p0 $0xFFFFF800;
	s15 =	sadd.s32 @!p1 $0x3380, s16  }
0x23: {  	[tilespmem:s15], [sflag:$0x1] =	stream.indirect_vreg.gather @!p1 [hbm4b:s4+s17], $0x80, v0, vm0, $0xb8;
	[tilespmem:$0x5380] =	vst v63  }
0x24: {  	_ =	swait.ge @!p1 [sflag:s14], $0x800  }
0x25: {  	[sflag:s14] =	ssyncset.done @!p1 $0x0  }
0x26: {  	s13 =	sadd.s32 @!p1 $0x2, s13;
	[sflag:s14] =	ssyncadd.s32 @!p1 $0xFFFFF800  }
0x27: {  	[hbm4b:s2+s17] =	stream.indirect_vreg.scatter @!p1 [tilespmem:s15], [sflag:s13], $0x80, v1, vm0, $0xb8;
	[tilespmem:$0x5380] =	vst v63  }
.LBB2_7:
0x28: {  	p0 =	sgt.s32 s12, $0x0  }
0x29: {  	s13 =	simm.s32 @p0 $0x2;
	p1 =	slt.u32 @p0 s12, $0x11  }
0x2a: {  	_ =	swait.ge @p0 [sflag:s13], $0x800;
	p2 =	por p1, !p0  }
0x2b: {  	[sflag:s13] =	ssyncset.done @p0 $0x0;
	p3 =	slt.u32 @!p2 s12, $0x21  }
0x2c: {  	[sflag:s13] =	ssyncadd.s32 @p0 $0xFFFFF800;
	s13 =	simm.s32 @!p2 $0x3;
	p4 =	por @p0 p3, p1  }
0x2d: {  	_ =	swait.ge @!p2 [sflag:s13], $0x800;
	p4 =	por p4, !p0  }
0x2e: {  	[sflag:s13] =	ssyncset.done @!p2 $0x0;
	p5 =	slt.u32 @!p4 s12, $0x31  }
0x2f: {  	s12 =	simm.s32 @!p4 $0x4;
	p3 =	por @!p2 p5, p3;
	[sflag:s13] =	ssyncadd.s32 @!p2 $0xFFFFF800  }
0x30: {  	_ =	swait.ge @!p4 [sflag:s12], $0x800;
	p1 =	por @p0 p3, p1  }
0x31: {  	[sflag:s12] =	ssyncset.done @!p4 $0x0;
	p0 =	por p1, !p0  }
0x32: {  	[sflag:s12] =	ssyncadd.s32 @!p4 $0xFFFFF800;
	s12 =	simm.s32 @!p0 $0x5  }
0x33: {  	_ =	swait.ge @!p0 [sflag:s12], $0x800  }
0x34: {  	s11 =	sadd.s32 $0x1, s11;
	[sflag:s12] =	ssyncset.done @!p0 $0x0  }
0x35: {  	[sflag:s12] =	ssyncadd.s32 @!p0 $0xFFFFF800;
	p0 =	sne.s32 s11, s8  }
.Ltmp1:
0x36: {  	_ = 	snop;
	(pc) =	sbr.rel @!p0 .LBB2_8-.Ltmp1, $1  }
0x37: {  	_ =	sdelay $0x3  }
.LBB2_1:
0x38: {  	[tilespmem:s9], [sflag:$0x1] =	stream.linear.gather [hbm4b:s5+s3], $0x80, $0x38;
	[tilespmem:$0x5380] =	vst v63  }
0x39: {  	_ =	swait.ge [sflag:s10], $0x80  }
0x3a: {  	[sflag:s10] =	ssyncset.done $0x0  }
0x3b: {  	[sflag:s10] =	ssyncadd.s32 $0xFFFFFF80  }
0x3c: {  	v0 =	vld [tilespmem:$0x3300];
	_ =	sdelay $0x4  }
0x3d: {  	v0 =	vxor.u32 $0x80000000, v0  }
0x3e: {  	(xrf0) =	vmax.scan.msk.u32 $0xffff, v0;
	_ =	sdelay $0x5  }
0x3f: {  	v0, _, _ =	vpop (xrf0)  }
0x40: {  	(v2sf) =	vpush v0, $0xF;
	_ =	sdelay $0xe  }
0x41: {  	s13 =	spop (v2sf)  }
0x42: {  	s12 =	sxor.u32 $0x80000000, s13  }
0x43: {  	p0 =	slt.s32 s12, $0x1  }
0x44: {  	s14 =	simm.s32 @!p0 $0x80;
	s15 =	simm.s32 @!p0 $0x400;
	s16 =	simm.s32 @!p0 $0x0  }
0x45: {  	[tilespmem:s16], [sflag:$0x1] =	stream.strided.gather @!p0 [hbm4b:s6+s14], $0x1980, s15, s14, $0x38;
	[tilespmem:$0x5380] =	vst v63  }
0x46: {  	s16 =	simm.s32 @!p0 $0x1  }
0x47: {  	s13 =	sadd.s32 $0x8000000F, s13;
	_ =	swait.ge @!p0 [sflag:s16], $0x1980  }
0x48: {  	p1 =	sgt.s32 s13, $0xF;
	[sflag:s16] =	ssyncset.done @!p0 $0x0  }
.Ltmp2:
0x49: {  	s17 =	simm.s32 @!p0 $0x1980;
	[sflag:s16] =	ssyncadd.s32 @!p0 $0xFFFFE680;
	(pc) =	sbr.rel @!p1 .LBB2_7-.Ltmp2, $4  }
0x4a: {  	[tilespmem:s17], [sflag:$0x1] =	stream.strided.gather @!p0 [hbm4b:s7+s14], $0x1980, s15, s14, $0x38;
	[tilespmem:$0x5380] =	vst v63  }
0x4b: {  	_ =	swait.ge @!p0 [sflag:s16], $0x1980  }
0x4c: {  	[sflag:s16] =	ssyncset.done @!p0 $0x0  }
0x4d: {  	[sflag:s16] =	ssyncadd.s32 @!p0 $0xFFFFE680  }
0x4e: {  	s14 =	sshra.s32 s13, $0x1F  }
0x4f: {  	s14 =	sshrl.u32 s14, $0x1C  }
0x50: {  	s31 =	sadd.s32 s14, s13  }
0x51: {  	s15 =	sshra.s32 s31, $0x4  }
0x52: {  	p1 =	seq.s32 s15, $0x1  }
.Ltmp3:
0x53: {  	_ = 	snop;
	(pc) =	sbr.rel @p1 .LBB2_3-.Ltmp3, $4  }
0x54: {  	_ = 	snop  }
0x55: {  	p2 =	sle.s32 s12, $0x0  }
0x56: {  	s16 =	simm.s32 $0x1980;
	p3 =	por $0x0, $0x0;
	p0 =	por @!p2 $0x1, $0x1  }
0x57: {  	v0 =	vmov @!p2 s12;
	v1 =	vlaneseq.u32 @!p2;
	s13 =	simm.s32 $0x1;
	p0 =	por p0, p0;
	s14 =	simm.s32 $0x10  }
0x58: {  	p1 =	por p2, p2  }
0x59: {  	v2 =	vld @!p1 [tilespmem:s3+$0x0]  }
0x5a: {  	v3 =	vld @!p1 [tilespmem:s16+$0x0];
	_ =	sdelay $0x3  }
0x5b: {  	v4 =	vshll.u32 @!p1 v2, $0x9  }
0x5c: {  	v4 =	vadd.s32 @!p1 v3, v4  }
0x5d: {  	vm1 =	vgt.s32 @!p1 v0, v1;
	v0 =	vxor.u32 @!p1 $0x80000000, v4  }
0x5e: {  	v0 =	vnsel @!p1 vm1, $0xC0000000, v0  }
0x5f: {  	(xrf0) =	vmin.scan.msk.u32 @!p1 $0xffff, v0;
	_ =	sdelay $0x5  }
0x60: {  	v0, _, _ =	vpop @!p2 (xrf0)  }
0x61: {  	(v2sf) =	vpush @!p1 v0, $0xF;
	_ =	sdelay $0xe  }
0x62: {  	s16 =	spop @!p2 (v2sf)  }
0x63: {  	s17 =	simm.s32 $0x2;
	p4 =	seq.s32 s15, $0x2;
	s18 =	sand.u32 @!p1 $0x1FF, s16  }
0x64: {  	s19 =	sand.u32 @!p1 $0x3, s3;
	p3 =	por p0, p1;
	s20 =	simm.s32 @!p1 $0x0;
	v0 =	vnsel @!p1 vm1, s18, v3  }
0x65: {  	s23 =	simm.s32 @!p1 $0x1;
	s21 =	sadd.s32 @!p3 $0x2, s19;
	s22 =	sshll.u32 @!p1 s19, $0xB  }
0x66: {  	s22 =	sadd.s32 @!p1 $0x3380, s22;
	p2 =	sle.s32 s12, $0x10;
	_ =	swait.ge @!p3 [sflag:s21], $0x800  }
0x67: {  	p0 =	por @!p2 $0x1, $0x1;
	s16 =	sshra.s32 @!p1 s16, $0x9;
	[sflag:s21] =	ssyncset.done @!p3 $0x0  }
.Ltmp4:
0x68: {  	vm0 =	vmmov @!p1 $0xffff;
	s24 =	sxor.u32 @!p1 $0xFFC00000, s16;
	[sflag:s21] =	ssyncadd.s32 @!p3 $0xFFFFF800;
	(pc) =	sbr.rel @p4 .LBB2_6-.Ltmp4, $4  }
0x69: {  	v2 =	vnsel @!p1 vm1, s24, v2;
	[tilespmem:s22], [sflag:$0x1] =	stream.indirect_vreg.gather @!p1 [hbm4b:s4+s20], $0x80, v0, vm0, $0xb8;
	[tilespmem:$0x5380] =	vst v63  }
0x6a: {  	s18 =	sadd.s32 $0xFFFFFFF0, s12;
	p0 =	por p0, p0;
	_ =	swait.ge @!p1 [sflag:s23], $0x800  }
0x6b: {  	s16 =	simm.s32 $0x1990;
	s21 =	sadd.s32 @!p1 $0x2, s19;
	[sflag:s23] =	ssyncset.done @!p1 $0x0  }
0x6c: {  	v1 =	vlaneseq.u32 @!p2;
	s19 =	simm.s32 $0x20;
	p3 =	por $0x1, $0x1;
	v0 =	vmov @!p2 s18;
	[sflag:s23] =	ssyncadd.s32 @!p1 $0xFFFFF800  }
.LBB2_5:
0x6d: {  	p6 =	por p2, p2  }
0x6e: {  	[hbm4b:s2+s20] =	stream.indirect_vreg.scatter @!p1 [tilespmem:s22], [sflag:s21], $0x80, v2, vm0, $0xb8;
	[tilespmem:$0x5380] =	vst v63  }
0x6f: {  	s20 =	smov.u32 s17;
	p1 =	por p2, p2  }
0x70: {  	s18 =	sadd.s32 $0xFFFFFFF0, s18;
	p2 =	sge.s32 s19, s12;
	s17 =	sadd.s32 $0x1, s17;
	v2 =	vld @!p1 [tilespmem:s14+$0x0]  }
0x71: {  	v3 =	vmov @!p2 s18;
	v4 =	vlaneseq.u32 @!p2;
	p5 =	slt.u32 @!p2 s19, $0x40;
	p4 =	seq.s32 s15, s17;
	v5 =	vld @!p1 [tilespmem:s16+$0x0];
	_ =	sdelay $0x3  }
0x72: {  	v6 =	vshll.u32 @!p1 v2, $0x9  }
0x73: {  	v6 =	vadd.s32 @!p1 v5, v6  }
0x74: {  	vm0 =	vgt.s32 @!p1 v0, v1;
	v0 =	vmovc v3;
	v1 =	vmov v4;
	v6 =	vxor.u32 @!p1 $0x80000000, v6  }
0x75: {  	v3 =	vnsel @!p1 vm0, $0xC0000000, v6  }
0x76: {  	(xrf0) =	vmin.scan.msk.u32 @!p1 $0xffff, v3;
	_ =	sdelay $0x5  }
0x77: {  	v3, _, _ =	vpop @!p6 (xrf0)  }
0x78: {  	(v2sf) =	vpush @!p1 v3, $0xF;
	_ =	sdelay $0xe  }
0x79: {  	s21 =	spop @!p6 (v2sf)  }
0x7a: {  	s22 =	sshra.s32 @!p1 s21, $0x9;
	s21 =	sand.u32 @!p1 $0x1FF, s21  }
0x7b: {  	s13 =	sand.u32 @!p1 $0x3, s13;
	p6 =	por p0, p1;
	s22 =	sxor.u32 @!p1 $0xFFC00000, s22;
	v3 =	vnsel @!p1 vm0, s21, v5  }
0x7c: {  	s23 =	sshll.u32 @!p1 s13, $0xB;
	s21 =	sadd.s32 @!p1 $0x2, s13;
	v2 =	vnsel @!p1 vm0, s22, v2;
	s22 =	sadd.s32 @!p6 $0x2, s13  }
0x7d: {  	p0 =	por p5, p5;
	s13 =	smov.u32 s20;
	_ =	swait.ge @!p6 [sflag:s22], $0x800  }
0x7e: {  	s24 =	simm.s32 @!p1 $0x1;
	s20 =	simm.s32 @!p1 $0x0;
	[sflag:s22] =	ssyncset.done @!p6 $0x0  }
.Ltmp5:
0x7f: {  	vm0 =	vmmov @!p1 $0xffff;
	[sflag:s22] =	ssyncadd.s32 @!p6 $0xFFFFF800;
	s22 =	sadd.s32 @!p1 $0x3380, s23;
	(pc) =	sbr.rel @!p4 .LBB2_5-.Ltmp5, $4  }
0x80: {  	[tilespmem:s22], [sflag:$0x1] =	stream.indirect_vreg.gather @!p1 [hbm4b:s4+s20], $0x80, v3, vm0, $0xb8;
	[tilespmem:$0x5380] =	vst v63  }
0x81: {  	_ =	swait.ge @!p1 [sflag:s24], $0x800  }
0x82: {  	s16 =	sadd.s32 $0x10, s16;
	[sflag:s24] =	ssyncset.done @!p1 $0x0  }
0x83: {  	s19 =	sadd.s32 $0x10, s19;
	s14 =	sadd.s32 $0x10, s14;
	[sflag:s24] =	ssyncadd.s32 @!p1 $0xFFFFF800  }
.Ltmp6:
0x84: {  	_ = 	snop;
	(pc) =	sbr.rel .LBB2_6-.Ltmp6, $1  }
0x85: {  	_ =	sdelay $0x3  }
.LBB2_8:
0x86: {  	_ =	sfence.sel $0x180000  }
0x87: {  	[bflag:$0x0] =	sbarrier.arrive $0xFFFF  }
0x88: {  	p0 =	sne.s32 s1, $0x0;
	_ =	strace $0x90000051  }
0x89: {  	s0 =	sadd.s32 @!p0 $0x100000, s0;
	[bflag:$0x2] =	sbarrier.arrive $0xFFFF  }
0x8a: {  	[sflag:s0] =	ssyncadd.tile.s32 @!p0 $0x1;
	_ =	shalt  }
.Lfunc_end2:
_tile_overlayer_lowered:
.L_overlay_start_2:
0x8b: {  	(tag) =	ssettag $0x2  }
0x8c: {  	s0 =	rddreg [dreg:$0x0];
	s2 =	stileid.u32  }
0x8d: {  	s1 =	rddreg [dreg:$0x1];
	p0 =	sne.s32 s2, $0x0  }
0x8e: {  	s3 =	rddreg [dreg:$0x2];
	[bflag:$0x3] =	sbarrier.arrive $0xFFFF;
	s2 =	simm.s32 @!p0 $0x1C01  }
0x8f: {  	[timem:s3], [sflag:s2] =	dma.local @!p0 [hbm:s0], s1  }
0x90: {  	s0 =	simm.s32 @!p0 $0x1  }
0x91: {  	_ =	swait.ge @!p0 [sflag:s0], s1  }
0x92: {  	s1 =	ssub.s32 @!p0 $0x0, s1;
	[sflag:s0] =	ssyncset.done @!p0 $0x0  }
0x93: {  	[sflag:s0] =	ssyncadd.s32 @!p0 s1  }
0x94: {  	[bflag:$0x3] =	sbarrier.arrive $0xFFFF  }
0x95: {  	_ =	shalt  }

// kernel: kernel.4.cloned.1.call-start
scs
__scs_entry_jumppad:
0x0: {  	(pc) =	sbr.rel $0x88, $3  }
0x1: {  	(tag) =	ssettag $0x0;
	lr =	simm.s32 $0x1  }
0x2: {  	[smem:$0x3F9D] =	sst lr;
	_ =	strace $0xD0000000  }
0x3: {  	_ = 	snop  }
0x4: {  	_ = 	snop  }
0x5: {  	_ = 	snop  }
0x6: {  	_ = 	snop  }
0x7: {  	_ = 	snop  }
__scs_overlays_trampoline_lowered:
0x8: {  	[smem:$0x3FAC] =	sst s0  }
0x9: {  	[smem:$0x3FAD] =	sst s1  }
0xa: {  	[smem:$0x3FAE] =	sst s2  }
0xb: {  	[smem:$0x3FAF] =	sst s3  }
0xc: {  	[smem:$0x3FB0] =	sst s4  }
0xd: {  	[smem:$0x3FB1] =	sst s5  }
0xe: {  	[smem:$0x3FB2] =	sst s6  }
0xf: {  	[smem:$0x3FB3] =	sst s7  }
0x10: {  	[smem:$0x3FB4] =	sst s8  }
0x11: {  	[smem:$0x3FB5] =	sst s9;
	s0 =	simm.s32 @!p0 $0x0  }
0x12: {  	s1 =	sld [smem:$0x3F9B];
	s0 =	simm.s32 @p0 $0x1  }
0x13: {  	[smem:$0x3FB6] =	sst s0;
	s0 =	simm.s32 @!p1 $0x0  }
0x14: {  	s2 =	sld [smem:$0x3F9A];
	s0 =	simm.s32 @p1 $0x1  }
0x15: {  	[smem:$0x3FB7] =	sst s0;
	s0 =	simm.s32 @!p2 $0x0  }
0x16: {  	s3 =	sld [smem:$0x3FDB];
	s0 =	simm.s32 @p2 $0x1  }
0x17: {  	s4 =	simm.s32 $0x1BF5;
	[smem:$0x3FB9] =	sst s0  }
0x18: {  	s0 =	sld [smem:$0x3F9C];
	_ =	swait.ge [sflag:s4], $0x0  }
0x19: {  	s7 =	sld [smem:$0x3F9D]  }
0x1a: {  	s8 =	sadd.s32 $0xFFFFE003, lr  }
0x1b: {  	s9 =	sadd.s32 $0xFFFFFEF7, lr;
	s5 =	simm.s32 $0xFFFFFFFF;
	p2 =	slt.u32 s8, $0xFFFFF086  }
0x1c: {  	p1 =	slt.u32 s9, $0xF7A;
	s5 =	simm.s32 @!p2 $0x0  }
0x1d: {  	s5 =	simm.s32 @p1 $0x1;
	p0 =	seq.s32 s7, s2  }
0x1e: {  	s7 =	smul.u32 @!p0 $0xF7A, s2;
	p2 =	seq.s32 @!p0 s5, $0x0  }
0x1f: {  	s9 =	smul.u32 $0xF7A, s1;
	s8 =	simm.s32 @!p0 $0x1BF5;
	p2 =	por !p2, p0  }
0x20: {  	[sflag:s8] =	ssyncset.s32 @!p0 $0xFFFFF086;
	s6 =	sadd.s32 @!p0 s3, s7;
	s7 =	simm.s32 @!p0 $0x108  }
0x21: {  	s3 =	sadd.s32 s3, s9;
	s6 =	sadd.s32 @!p0 $0x88, s6;
	s7 =	simm.s32 @p2 $0x1082  }
0x22: {  	[simem:s7], [sflag:s8] =	dma.local @!p0 [hbm:s6], $0xF7A  }
0x23: {  	s9 =	sor.u32 $0xD0000000, s2;
	s6 =	simm.s32 $0x108;
	_ =	swait.ge @!p0 [sflag:s8], $0x0  }
0x24: {  	s3 =	sadd.s32 $0x88, s3;
	s6 =	simm.s32 @!p1 $0x1082;
	[sflag:s4] =	ssyncset.s32 $0xFFFFF086  }
0x25: {  	[simem:s6], [sflag:s4] =	dma.local [hbm:s3], $0xF7A  }
0x26: {  	[smem:$0x3F9D] =	sst s1;
	(tag) =	ssettag s2;
	_ =	strace s9  }
0x27: {  	s1 =	sld [smem:$0x3FAD]  }
0x28: {  	s2 =	sld [smem:$0x3FAE]  }
0x29: {  	s4 =	sld [smem:$0x3FB0]  }
0x2a: {  	p0 =	seq.s32 s5, $0x0;
	s5 =	sld [smem:$0x3FB1]  }
0x2b: {  	s6 =	sld [smem:$0x3FB2]  }
0x2c: {  	s7 =	sld [smem:$0x3FB3]  }
0x2d: {  	s3 =	simm.s32 $0x108;
	s8 =	sld [smem:$0x3FB4]  }
0x2e: {  	s3 =	simm.s32 @!p0 $0x1082;
	s9 =	sld [smem:$0x3FB5]  }
0x2f: {  	lr =	sadd.s32 s0, s3;
	s0 =	sld [smem:$0x3FAC]  }
0x30: {  	s3 =	sld [smem:$0x3FAF]  }
0x31: {  	[smem:$0x3FB8] =	sst s10  }
0x32: {  	s10 =	sld [smem:$0x3FB6];
	_ =	sdelay $0x3  }
0x33: {  	p0 =	seq.s32 s10, $0x1;
	s10 =	sld [smem:$0x3FB8];
	_ =	sdelay $0x3  }
0x34: {  	[smem:$0x3FB8] =	sst s10  }
0x35: {  	s10 =	sld [smem:$0x3FB7];
	_ =	sdelay $0x3  }
0x36: {  	p1 =	seq.s32 s10, $0x1;
	s10 =	sld [smem:$0x3FB8];
	_ =	sdelay $0x3  }
0x37: {  	[smem:$0x3FB8] =	sst s10  }
0x38: {  	s10 =	sld [smem:$0x3FB9]  }
0x39: {  	_ = 	snop;
	(pc) =	sbr.ind lr, $3  }
0x3a: {  	_ = 	snop  }
0x3b: {  	_ = 	snop  }
0x3c: {  	p2 =	seq.s32 s10, $0x1;
	s10 =	sld [smem:$0x3FB8]  }
0x3d: {  	_ =	shalt  }
0x3e: {  	_ =	shalt  }
0x3f: {  	_ =	shalt  }
0x40: {  	_ =	shalt  }
0x41: {  	_ =	shalt  }
0x42: {  	_ =	shalt  }
0x43: {  	_ =	shalt  }
0x44: {  	_ =	shalt  }
0x45: {  	_ =	shalt  }
0x46: {  	_ =	shalt  }
0x47: {  	_ =	shalt  }
0x48: {  	_ =	shalt  }
0x49: {  	_ =	shalt  }
0x4a: {  	_ =	shalt  }
0x4b: {  	_ =	shalt  }
0x4c: {  	_ =	shalt  }
0x4d: {  	_ =	shalt  }
0x4e: {  	_ =	shalt  }
0x4f: {  	_ =	shalt  }
0x50: {  	_ =	shalt  }
0x51: {  	_ =	shalt  }
0x52: {  	_ =	shalt  }
0x53: {  	_ =	shalt  }
0x54: {  	_ =	shalt  }
0x55: {  	_ =	shalt  }
0x56: {  	_ =	shalt  }
0x57: {  	_ =	shalt  }
0x58: {  	_ =	shalt  }
0x59: {  	_ =	shalt  }
0x5a: {  	_ =	shalt  }
0x5b: {  	_ =	shalt  }
0x5c: {  	_ =	shalt  }
0x5d: {  	_ =	shalt  }
0x5e: {  	_ =	shalt  }
0x5f: {  	_ =	shalt  }
0x60: {  	_ =	shalt  }
0x61: {  	_ =	shalt  }
0x62: {  	_ =	shalt  }
0x63: {  	_ =	shalt  }
0x64: {  	_ =	shalt  }
0x65: {  	_ =	shalt  }
0x66: {  	_ =	shalt  }
0x67: {  	_ =	shalt  }
0x68: {  	_ =	shalt  }
0x69: {  	_ =	shalt  }
0x6a: {  	_ =	shalt  }
0x6b: {  	_ =	shalt  }
0x6c: {  	_ =	shalt  }
0x6d: {  	_ =	shalt  }
0x6e: {  	_ =	shalt  }
0x6f: {  	_ =	shalt  }
0x70: {  	_ =	shalt  }
0x71: {  	_ =	shalt  }
0x72: {  	_ =	shalt  }
0x73: {  	_ =	shalt  }
0x74: {  	_ =	shalt  }
0x75: {  	_ =	shalt  }
0x76: {  	_ =	shalt  }
0x77: {  	_ =	shalt  }
0x78: {  	_ =	shalt  }
0x79: {  	_ =	shalt  }
0x7a: {  	_ =	shalt  }
0x7b: {  	_ =	shalt  }
0x7c: {  	_ =	shalt  }
0x7d: {  	_ =	shalt  }
0x7e: {  	_ =	shalt  }
0x7f: {  	_ =	shalt  }
0x80: {  	_ =	shalt  }
0x81: {  	_ =	shalt  }
0x82: {  	_ =	shalt  }
0x83: {  	_ =	shalt  }
0x84: {  	_ =	shalt  }
0x85: {  	_ =	shalt  }
0x86: {  	_ =	shalt  }
0x87: {  	_ =	shalt  }
.Lfunc_end0:
.L_simem_size_0:
called_computation_lowered:
.L_overlay_start_0:
0x88: {  	s2 =	sld [smem:$0x3FD9]  }
0x89: {  	s3 =	sld [smem:$0x3FFE];
	_ =	sdelay $0x1  }
0x8a: {  	s1 =	srdreg.scid  }
0x8b: {  	s0 =	sand.u32 $0x1, s1  }
0x8c: {  	s17 =	sshll.u32 s0, $0xA;
	s2 =	sadd.s32 s3, s2  }
0x8d: {  	s2 =	sadd.s32 s2, s17  }
0x8e: {  	[smem:$0x3FC4] =	sst s2  }
0x8f: {  	_ = 	snop  }
0x90: {  	s2 =	sld [smem:$0x3FC8]  }
0x91: {  	s18 =	sld [smem:$0x3FD0];
	(tm) =	ssettm $0x1  }
0x92: {  	s4 =	sld [smem:$0x3FFB];
	_ =	sdelay $0x3  }
0x93: {  	_ =	strace s4  }
0x94: {  	s4 =	sld [smem:$0x3FFC];
	_ =	sdelay $0x3  }
0x95: {  	_ =	strace s4  }
0x96: {  	s4 =	sld [smem:$0x3FFD];
	_ =	sdelay $0x3  }
0x97: {  	_ =	strace s4  }
0x98: {  	_ =	strace $0x8FFFFFFF  }
0x99: {  	s19 =	sld [smem:$0x3FDB];
	_ =	sdelay $0x1  }
0x9a: {  	s5 =	simm.s32 $_scs_section_size  }
0x9b: {  	s6 =	simm.s32 $_size__tile_overlayer_lowered;
	s7 =	simm.s32 $_tile_overlayer_lowered  }
0x9c: {  	s22 =	simm.s32 $0x1BFF;
	s21 =	sshll.u32 s7, $0x1;
	s4 =	sadd.s32 s5, s19  }
0x9d: {  	s8 =	simm.s32 $0x0;
	s20 =	sshll.u32 s6, $0x1;
	s6 =	sadd.s32 s21, s4  }
0x9e: {  	[timem:s8], [sflag:s22] =	dma.local [hbm:s6], s20  }
0x9f: {  	_ =	swait.ge [sflag:s22], s20  }
0xa0: {  	s5 =	ssub.s32 $0x0, s20;
	[sflag:s22] =	ssyncset.done $0x0  }
0xa1: {  	[sflag:s22] =	ssyncadd.s32 s5;
	_ =	sdelay $0x1  }
0xa2: {  	s23 =	simm.s32 $0x1B8B  }
0xa3: {  	_ =	swait.ge [sflag:s23], $0x1  }
0xa4: {  	[sflag:s23] =	ssyncset.done $0x0  }
0xa5: {  	s25 =	simm.s32 $0x1B8E;
	s24 =	sld [smem:$0x3FFE];
	[sflag:s23] =	ssyncadd.s32 $0xFFFFFFFF  }
0xa6: {  	s26 =	simm.s32 $execute0_lowered;
	[smem:$0x3FD2] =	sst s25  }
0xa7: {  	s6 =	sshll.u32 s26, $0x1;
	_ =	strace $0x80000046;
	[dreg:$0x1] =	wrdreg $0xFFFFFFFF  }
0xa8: {  	s28 =	simm.s32 $_size_execute0_lowered;
	s4 =	sadd.s32 s4, s6;
	[dreg:$0x0] =	wrdreg $0x0  }
0xa9: {  	s6 =	sshll.u32 s28, $0x1;
	[dreg:$0x2] =	wrdreg s4  }
0xaa: {  	[dreg:$0x3] =	wrdreg s6  }
0xab: {  	[dreg:$0x4] =	wrdreg $0xC0  }
0xac: {  	_ =	task [dreg:s8], $0x5FFFF  }
0xad: {  	[dreg:$0x1] =	wrdreg $0xFFFFFFFF  }
0xae: {  	[dreg:$0x0] =	wrdreg $0x60  }
0xaf: {  	[dreg:$0x2] =	wrdreg s24  }
0xb0: {  	[dreg:$0x3] =	wrdreg s2  }
0xb1: {  	[dreg:$0x4] =	wrdreg s18  }
0xb2: {  	[dreg:$0x5] =	wrdreg $0x9  }
0xb3: {  	_ =	task.clear_ibuf [dreg:s8], $0x6FFFF;
	_ =	strace $0x90000046  }
0xb4: {  	s29 =	simm.s32 $0x9;
	_ =	strace $0x8000004F  }
0xb5: {  	_ =	swait.ge [sflag:s29], $0x1  }
0xb6: {  	[sflag:s29] =	ssyncadd.s32 $0xFFFFFFFF  }
0xb7: {  	_ =	strace $0x9000004F  }
0xb8: {  	_ =	sfence  }
0xb9: {  	s30 =	sld [smem:$0x0];
	_ =	sdelay $0x2  }
0xba: {  	s31 =	sshll.u32 s1, $0xD;
	s1 =	sshrl.u32 s1, $0x2  }
0xbb: {  	s3 =	sand.u32 $0x4000, s31;
	s1 =	sadd.s32 s1, s30  }
0xbc: {  	s0 =	sor.u32 s3, s0;
	s1 =	sshll.u32 s1, $0x11  }
0xbd: {  	s0 =	sor.u32 s1, s0  }
0xbe: {  	s0 =	sadd.s32 $0x8F2B, s0  }
0xbf: {  	[sflag:s0] =	ssyncadd.remote.s32 $0x1  }
0xc0: {  	_ =	sfence.sel $0xFFFF  }
0xc1: {  	[dreg:$0x0] =	wrdreg $0xFFFFFFFF;
	(pc) =	sbr.abs _section_cstart, $3  }
0xc2: {  	[dreg:$0x1] =	wrdreg $0xFFFFFFFF  }
0xc3: {  	_ =	task.clear_ibuf [dreg:s8], $0x2FFFF;
	_ =	strace $0x9FFFFFFF  }
0xc4: {  	(tm) =	ssettm $0x7FFFFFFF  }
0xc5: {  	_ =	shalt  }
tec
execute0_lowered:
.L_overlay_start_1:
0x0: {  	(tag) =	ssettag $0x1  }
0x1: {  	s0 =	rddreg [dreg:$0x0]  }
0x2: {  	s2 =	rddreg [dreg:$0x1]  }
0x3: {  	s3 =	rddreg [dreg:$0x2]  }
0x4: {  	s1 =	srdreg.scid;
	s10 =	stileid.u32;
	s13 =	simm.s32 $0x100  }
0x5: {  	s14 =	simm.s32 $0x5;
	s15 =	simm.s32 $0x1;
	s16 =	simm.s32 $0x3  }
0x6: {  	s1 =	sand.u32 $0x1, s1;
	s4 =	sshll.u32 s10, $0x8;
	s5 =	sshrl.u32 s10, $0x2  }
0x7: {  	s6 =	sshll.u32 s1, $0x7;
	s7 =	sand.u32 $0x300, s4;
	s4 =	simm.s32 $0x0  }
0x8: {  	s8 =	sshll.u32 s5, $0xA;
	s25 =	smul.u32 $0xCC00, s5;
	s5 =	sadd.s32 $0x1000, s0  }
0x9: {  	s9 =	sshll.u32 s1, $0x4;
	s1 =	ssub.s32 $0x2, s1;
	s6 =	sor.u32 s6, s7  }
0xa: {  	[smem:$0x7FF] =	sst s4;
	s26 =	sor.u32 s10, s9;
	s28 =	sshrl.u32 s1, $0x1  }
0xb: {  	s7 =	sor.u32 s8, s6;
	_ =	strace $0x80000047;
	s6 =	sor.u32 s25, s6  }
0xc: {  	s10 =	smul.u32 $0x320, s26;
	s1 =	ssub.s32 s1, s28;
	s7 =	sshrl.u32 s7, $0x3  }
0xd: {  	s6 =	sshrl.u32 s6, $0x3;
	s31 =	smax.u32 s1, $0x1;
	s7 =	sadd.s32 s7, s0  }
.Ltmp0:
0xe: {  	s29 =	sadd.s32 s5, s10;
	[dreg:$0x8] =	wrdreg s31;
	(pc) =	sbr.rel .LBB2_1-.Ltmp0, $4  }
0xf: {  	s0 =	sadd.s32 s6, s0;
	[dreg:$0x4] =	wrdreg s29;
	s7 =	sadd.s32 $0x7400, s7  }
0x10: {  	s18 =	simm.s32 $0x80;
	s30 =	sadd.s32 $0x7600, s0;
	[dreg:$0x5] =	wrdreg s7  }
0x11: {  	s19 =	simm.s32 $0x400;
	s0 =	sadd.s32 $0xDC00, s0;
	[dreg:$0x6] =	wrdreg s30  }
0x12: {  	v0 =	vimm.f32 $0.0e+00;
	s21 =	simm.s32 $0x0;
	s6 =	smul.u32 $0x19, s26;
	[dreg:$0x7] =	wrdreg s0  }
.LBB2_9:
0x13: {  	_ =	strace $0x8000004E  }
0x14: {  	_ =	swait.ge [sflag:s16], $0x8000  }
0x15: {  	[sflag:s16] =	ssyncset.done $0x0  }
0x16: {  	[sflag:s16] =	ssyncadd.s32 $0xFFFF8000  }
0x17: {  	_ =	strace $0x9000004E  }
0x18: {  	s0 =	sld [smem:$0x0];
	_ =	sdelay $0x2  }
0x19: {  	v1 =	vmov s0  }
0x1a: {  	s1 =	simm.s32 $0x3300;
	s26 =	rddreg [dreg:$0x5];
	[tilespmem:$0x3300] =	vst v1  }
0x1b: {  	[hbm4b:s26+s4] =	stream.linear.scatter [tilespmem:s1], [sflag:$0x1], $0x80, $0x38;
	[tilespmem:$0x13580] =	vst v63  }
0x1c: {  	_ =	swait.ge [sflag:s15], $0x80  }
0x1d: {  	[sflag:s15] =	ssyncset.done $0x0  }
0x1e: {  	s28 =	rddreg [dreg:$0x6];
	[sflag:s15] =	ssyncadd.s32 $0xFFFFFF80  }
0x1f: {  	[hbm4b:s28+s18] =	stream.strided.scatter [tilespmem:s4], [sflag:$0x1], $0x1980, s19, s18, $0x38;
	[tilespmem:$0x13580] =	vst v63  }
0x20: {  	_ =	swait.ge [sflag:s15], $0x1980  }
0x21: {  	[sflag:s15] =	ssyncset.done $0x0  }
0x22: {  	s30 =	simm.s32 $0x1980;
	s29 =	rddreg [dreg:$0x7];
	[sflag:s15] =	ssyncadd.s32 $0xFFFFE680  }
0x23: {  	[hbm4b:s29+s18] =	stream.strided.scatter [tilespmem:s30], [sflag:$0x1], $0x1980, s19, s18, $0x38;
	[tilespmem:$0x13580] =	vst v63  }
0x24: {  	_ =	swait.ge [sflag:s15], $0x1980  }
0x25: {  	s21 =	sadd.s32 $0x1, s21;
	s31 =	rddreg [dreg:$0x8]  }
0x26: {  	p0 =	sne.s32 s21, s31  }
.Ltmp1:
0x27: {  	_ = 	snop;
	(pc) =	sbr.rel @!p0 .LBB2_10-.Ltmp1, $3  }
0x28: {  	_ =	sdelay $0x1  }
0x29: {  	[sflag:s15] =	ssyncset.done $0x0  }
0x2a: {  	[sflag:s15] =	ssyncadd.s32 $0xFFFFE680  }
.LBB2_1:
.Ltmp2:
0x2b: {  	[smem:$0x0] =	sst s4;
	s1 =	simm.s32 $0x3380;
	(pc) =	sbr.rel .LBB2_2-.Ltmp2, $4  }
0x2c: {  	s22 =	simm.s32 $0x0;
	s23 =	simm.s32 $0x0;
	_ =	strace $0x80000048  }
0x2d: {  	s24 =	simm.s32 $0x0;
	s25 =	simm.s32 $0x0;
	s0 =	rddreg [dreg:$0x4]  }
0x2e: {  	[tilespmem:s1], [sflag:$0x1] =	stream.linear.gather [hbm4b:s0+s4], $0x100, $0x200038;
	[tilespmem:$0x13580] =	vst v63  }
0x2f: {  	s26 =	simm.s32 $0x1;
	s28 =	simm.s32 $0x0;
	_ =	strace $0x90000048  }
.LBB2_8:
0x30: {  	p2 =	seq.s32 s28, $0x18  }
0x31: {  	p1 =	por p2, p1  }
0x32: {  	_ =	strace $0x9000004B;
	s0 =	sshll.u32 @p1 s31, $0xC  }
0x33: {  	_ =	strace @p1 $0x8000004C;
	s0 =	sand.u32 @p1 $0x1FFFF000, s0  }
0x34: {  	s1 =	sadd.s32 @p1 $0x3, s29;
	s7 =	simm.s32 @p1 $0x0;
	s0 =	sadd.s32 @p1 s3, s0  }
0x35: {  	[hbm4b:s0+s7] =	stream.linear.scatter @p1 [tilespmem:s30], [sflag:s1], $0x8000, $0x200038;
	[tilespmem:$0x13580] =	vst v63  }
0x36: {  	s0 =	simm.s32 $0x1  }
0x37: {  	s7 =	simm.s32 $0x1;
	s0 =	simm.s32 @!p0 $0x0;
	p0 =	seq.s32 s28, $0x0  }
0x38: {  	_ =	strace @p1 $0x9000004C;
	s26 =	sadd.s32 s0, s26;
	s0 =	simm.s32 $0x1  }
0x39: {  	s0 =	simm.s32 @!p1 $0x0;
	p1 =	sne.s32 s28, $0x0;
	s28 =	sadd.s32 $0x1, s28  }
0x3a: {  	s1 =	sand.u32 @!p0 $0x1, s23;
	s7 =	simm.s32 @!p1 $0x0;
	p1 =	sne.s32 s28, $0x19  }
.Ltmp3:
0x3b: {  	_ =	strace @!p0 $0x8000004D;
	s1 =	sadd.s32 @!p0 $0x3, s1;
	(pc) =	sbr.rel @!p1 .LBB2_9-.Ltmp3, $4  }
0x3c: {  	_ =	swait.ge @!p0 [sflag:s1], $0x8000  }
0x3d: {  	[sflag:s1] =	ssyncset.done @!p0 $0x0  }
0x3e: {  	s24 =	sadd.s32 s0, s24;
	[sflag:s1] =	ssyncadd.s32 @!p0 $0xFFFF8000  }
0x3f: {  	s25 =	sadd.s32 s0, s25;
	s23 =	sadd.s32 s7, s23;
	_ =	strace @!p0 $0x9000004D  }
.LBB2_2:
0x40: {  	s1 =	smov.u32 s22;
	s22 =	sadd.s32 $0x1, s22  }
0x41: {  	p0 =	seq.s32 s22, $0x19  }
0x42: {  	s22 =	simm.s32 @p0 $0x0  }
0x43: {  	p6 =	sne.s32 s28, $0x18;
	p1 =	sne.s32 s1, s22  }
0x44: {  	p0 =	por !p6, !p1  }
0x45: {  	p0 =	por !p0, !p0  }
0x46: {  	s7 =	sadd.s32 @p0 s6, s22  }
0x47: {  	s0 =	sand.u32 @p0 $0x1, s26;
	_ =	strace @p0 $0x80000049;
	s7 =	sshll.u32 @p0 s7, $0x5  }
0x48: {  	s9 =	simm.s32 @p0 $0x0;
	s8 =	sshll.u32 @p0 s0, $0x8;
	s7 =	sand.u32 @p0 $0x1FFFFFE0, s7  }
0x49: {  	s0 =	sadd.s32 @p0 $0x1, s0;
	s8 =	sadd.s32 @p0 $0x3380, s8;
	s7 =	sadd.s32 @p0 s5, s7  }
0x4a: {  	[tilespmem:s8], [sflag:s0] =	stream.linear.gather @p0 [hbm4b:s7+s9], $0x100, $0x200038;
	[tilespmem:$0x13580] =	vst v63  }
0x4b: {  	s12 =	sand.u32 $0x1, s25;
	_ =	strace @p0 $0x90000049  }
0x4c: {  	s0 =	sadd.s32 $0x1, s12;
	_ =	strace $0x8000004A  }
0x4d: {  	_ =	swait.ge [sflag:s0], $0x100  }
0x4e: {  	s29 =	sand.u32 $0x1, s24;
	[sflag:s0] =	ssyncset.done $0x0  }
0x4f: {  	s17 =	sshll.u32 s25, $0x8;
	s20 =	sshll.u32 s29, $0xF;
	[sflag:s0] =	ssyncadd.s32 $0xFFFFFF00  }
0x50: {  	s30 =	sor.u32 $0x3580, s20;
	s0 =	sand.u32 $0x100, s17;
	_ =	strace $0x9000004A  }
.Ltmp4:
0x51: {  	s0 =	sadd.s32 $0x3380, s0;
	_ =	strace $0x8000004B;
	(pc) =	sbr.rel .LBB2_3-.Ltmp4, $4  }
0x52: {  	[tilespmem:s30], [sflag:$0x5] =	stream.indirect.gather [hbm4b:s2+s13], $0x80, s0, s13, $0x2000b8;
	[tilespmem:$0x13580] =	vst v63  }
0x53: {  	_ =	swait.ge [sflag:s14], $0x8000  }
0x54: {  	s31 =	sadd.s32 s6, s1;
	[sflag:s14] =	ssyncset.done $0x0  }
0x55: {  	s1 =	sshll.u32 s31, $0x8;
	s12 =	simm.s32 $0x0;
	v1 =	vmov s0;
	[sflag:s14] =	ssyncadd.s32 $0xFFFF8000  }
.LBB2_6:
0x56: {  	s7 =	spop (v2sf)  }
0x57: {  	p3 =	sgt.f32 s7, $0.0e+00;
	_ =	sdelay $0x1  }
0x58: {  	vm0 =	vgt.s32 @p3 v2, $0x1869F  }
0x59: {  	v3 =	vmpcnt.ones.xlane @p3 vm0;
	_ =	sdelay $0x1  }
0x5a: {  	v3 =	vxor.u32 @p3 $0x80000000, v3  }
0x5b: {  	(xrf0) =	vmax.scan.msk.u32 @p3 $0xffff, v3;
	_ =	sdelay $0x5  }
0x5c: {  	v3, _, _ =	vpop @p3 (xrf0)  }
0x5d: {  	(v2sf) =	vpush @p3 v3, $0xF;
	_ =	sdelay $0xb  }
0x5e: {  	[smem:$0x0] =	sst @p2 s9  }
0x5f: {  	s7 =	sld @p3 [smem:$0x0];
	_ =	sdelay $0x1  }
0x60: {  	vm1 =	vgt.s32 @p3 v2, $0x186A0;
	s8 =	sadd.s32 @p3 s20, s17;
	v3 =	vlaneseq.u32 @p3;
	s9 =	spop @p3 (v2sf)  }
0x61: {  	v2 =	vnsel @p3 vm1, $0x186A0, v2;
	v3 =	vor.u32 @p3 s8, v3;
	s8 =	sadd.s32 @p3 s9, s7  }
0x62: {  	v2 =	vadd.s32 @p3 $0xFFFE7960, v2;
	[tilespmem:s7+$0x0] =	vst.msk @p3 vm0, v3;
	s8 =	sadd.s32 @p3 $0x80000000, s8  }
0x63: {  	[tilespmem:s7+$0x1980] =	vst.msk @p3 vm0, v2;
	[smem:$0x0] =	sst @p3 s8  }
.LBB2_7:
0x64: {  	s12 =	sadd.s32 $0x1, s12  }
0x65: {  	p2 =	sne.s32 s12, $0x4  }
.Ltmp5:
0x66: {  	_ = 	snop;
	(pc) =	sbr.rel @!p2 .LBB2_8-.Ltmp5, $2  }
0x67: {  	_ =	sdelay $0x2  }
0x68: {  	s0 =	sadd.s32 $0x40, s0  }
.LBB2_3:
0x69: {  	_ =	sdelay $0x2  }
0x6a: {  	s7 =	sshll.u32 s12, $0x6  }
0x6b: {  	v2 =	vld.idx.msk [tilespmem:v1+s7+$0x0 ss:$0x1], $0xffff  }
0x6c: {  	v3 =	vld.idx.msk [tilespmem:v1+s7+$0x10 ss:$0x1], $0xffff;
	_ =	sdelay $0x1  }
0x6d: {  	v4 =	vld.idx.msk [tilespmem:v1+s7+$0x20 ss:$0x1], $0xffff;
	_ =	sdelay $0x1  }
0x6e: {  	v5 =	vld.idx.msk [tilespmem:v1+s7+$0x30 ss:$0x1], $0xffff  }
0x6f: {  	vm0 =	vgt.s32 v2, v3  }
0x70: {  	v2 =	vsel vm0, v2, v3  }
0x71: {  	vm0 =	vgt.s32 v2, v4  }
0x72: {  	v2 =	vsel vm0, v2, v4  }
0x73: {  	vm0 =	vgt.s32 v2, v5  }
0x74: {  	v2 =	vsel vm0, v2, v5  }
0x75: {  	vm0 =	vgt.s32 v2, $0x1869F  }
0x76: {  	v2 =	vsel vm0, $0x3F800000, v0  }
0x77: {  	(xrf0) =	vmax.scan.msk.f32 $0xffff, v2;
	_ =	sdelay $0x5  }
0x78: {  	v2, _, _ =	vpop (xrf0)  }
0x79: {  	(v2sf) =	vpush v2, $0xF;
	_ =	sdelay $0xe  }
0x7a: {  	s8 =	spop (v2sf)  }
0x7b: {  	p2 =	sgt.f32 s8, $0.0e+00  }
.Ltmp6:
0x7c: {  	_ = 	snop;
	(pc) =	sbr.rel @!p2 .LBB2_7-.Ltmp6, $1  }
0x7d: {  	_ =	sdelay $0x3  }
0x7e: {  	v2 =	vld [tilespmem:s0+$0x0];
	_ =	sdelay $0x4  }
0x7f: {  	vm0 =	vgt.s32 v2, $0x1869F  }
0x80: {  	v3 =	vsel vm0, $0x3F800000, v0  }
0x81: {  	(xrf0) =	vmax.scan.msk.f32 $0xffff, v3;
	_ =	sdelay $0x5  }
0x82: {  	v3, _, _ =	vpop (xrf0)  }
0x83: {  	(v2sf) =	vpush v3, $0xF;
	_ =	sdelay $0xe  }
0x84: {  	s8 =	spop (v2sf)  }
0x85: {  	p2 =	sgt.f32 s8, $0.0e+00;
	_ =	sdelay $0x1  }
0x86: {  	vm0 =	vgt.s32 @p2 v2, $0x1869F  }
0x87: {  	v3 =	vmpcnt.ones.xlane @p2 vm0;
	_ =	sdelay $0x1  }
0x88: {  	v3 =	vxor.u32 @p2 $0x80000000, v3  }
0x89: {  	(xrf0) =	vmax.scan.msk.u32 @p2 $0xffff, v3;
	_ =	sdelay $0x2  }
0x8a: {  	s17 =	sadd.s32 s1, s7;
	s8 =	sld @p2 [smem:$0x0]  }
0x8b: {  	vm1 =	vgt.s32 @p2 v2, $0x186A0;
	s7 =	sadd.s32 @p2 $0x0, s17;
	v3 =	vlaneseq.u32 @p2  }
0x8c: {  	v2 =	vnsel @p2 vm1, $0x186A0, v2;
	v3 =	vor.u32 @p2 s7, v3  }
0x8d: {  	v2 =	vadd.s32 @p2 $0xFFFE7960, v2;
	[tilespmem:s8+$0x0] =	vst.msk @p2 vm0, v3;
	v4, _, _ =	vpop @p2 (xrf0)  }
0x8e: {  	s7 =	sadd.s32 $0x10, s0;
	[tilespmem:s8+$0x1980] =	vst.msk @p2 vm0, v2;
	(v2sf) =	vpush @p2 v4, $0xF  }
0x8f: {  	v2 =	vld [tilespmem:s7+$0x0];
	_ =	sdelay $0x4  }
0x90: {  	vm15 =	vgt.s32 v2, $0x1869F  }
0x91: {  	v3 =	vsel vm15, $0x3F800000, v0  }
0x92: {  	(xrf0) =	vmax.scan.msk.f32 $0xffff, v3;
	_ =	sdelay $0x5  }
0x93: {  	v3, _, _ =	vpop (xrf0)  }
0x94: {  	s9 =	spop @p2 (v2sf);
	(v2sf) =	vpush v3, $0xF;
	_ =	sdelay $0x7  }
0x95: {  	s9 =	sadd.s32 @p2 s9, s8  }
0x96: {  	s20 =	simm.s32 $0x10;
	s8 =	simm.s32 $0x20;
	s9 =	sadd.s32 @p2 $0x80000000, s9  }
.LBB2_5:
0x97: {  	[smem:$0x0] =	sst @p2 s9;
	s9 =	smov.u32 s8;
	s8 =	sadd.s32 $0x10, s8  }
0x98: {  	p3 =	sne.s32 s8, $0x40;
	_ =	sdelay $0x3  }
0x99: {  	s10 =	spop (v2sf)  }
0x9a: {  	p2 =	sgt.f32 s10, $0.0e+00;
	_ =	sdelay $0x1  }
0x9b: {  	vm0 =	vgt.s32 @p2 v2, $0x1869F;
	vm1 =	vgt.s32 @p2 v2, $0x186A0;
	s10 =	sadd.s32 @p2 s20, s17;
	v3 =	vlaneseq.u32 @p2;
	s11 =	sld @p2 [smem:$0x0];
	s20 =	smov.u32 s9  }
0x9c: {  	v2 =	vnsel @p2 vm1, $0x186A0, v2;
	v3 =	vor.u32 @p2 s10, v3;
	v4 =	vmpcnt.ones.xlane @p2 vm0  }
0x9d: {  	v2 =	vadd.s32 @p2 $0xFFFE7960, v2  }
0x9e: {  	[tilespmem:s11+$0x0] =	vst.msk @p2 vm0, v3;
	v3 =	vxor.u32 @p2 $0x80000000, v4  }
0x9f: {  	s7 =	sadd.s32 $0x10, s7;
	[tilespmem:s11+$0x1980] =	vst.msk @p2 vm0, v2;
	(xrf0) =	vmax.scan.msk.u32 @p2 $0xffff, v3  }
0xa0: {  	v2 =	vld [tilespmem:s7+$0x0];
	_ =	sdelay $0x4  }
0xa1: {  	vm0 =	vgt.s32 v2, $0x1869F;
	v3, _, _ =	vpop @p2 (xrf0)  }
0xa2: {  	v4 =	vsel vm0, $0x3F800000, v0;
	(v2sf) =	vpush @p2 v3, $0xF  }
0xa3: {  	(xrf0) =	vmax.scan.msk.f32 $0xffff, v4;
	_ =	sdelay $0x5  }
0xa4: {  	v3, _, _ =	vpop (xrf0)  }
0xa5: {  	(v2sf) =	vpush v3, $0xF;
	_ =	sdelay $0x4  }
.Ltmp7:
0xa6: {  	(pc) =	sbr.rel @p3 .LBB2_5-.Ltmp7, $4  }
0xa7: {  	_ = 	snop  }
0xa8: {  	s9 =	spop @p2 (v2sf)  }
0xa9: {  	s9 =	sadd.s32 @p2 s9, s11  }
0xaa: {  	s9 =	sadd.s32 @p2 $0x80000000, s9  }
.Ltmp8:
0xab: {  	_ = 	snop;
	(pc) =	sbr.rel .LBB2_6-.Ltmp8, $1  }
0xac: {  	_ =	sdelay $0x3  }
.LBB2_10:
0xad: {  	_ =	sfence.sel $0x180000  }
0xae: {  	[bflag:$0x0] =	sbarrier.arrive $0xFFFF  }
0xaf: {  	_ =	strace $0x90000047  }
0xb0: {  	s0 =	stileid.u32;
	[bflag:$0x2] =	sbarrier.arrive $0xFFFF  }
0xb1: {  	p0 =	sne.s32 s0, $0x0;
	s0 =	rddreg [dreg:$0x3]  }
0xb2: {  	s0 =	sadd.s32 @!p0 $0x100000, s0  }
0xb3: {  	[sflag:s0] =	ssyncadd.tile.s32 @!p0 $0x1;
	_ =	shalt  }
.Lfunc_end2:
_tile_overlayer_lowered:
.L_overlay_start_2:
0xb4: {  	(tag) =	ssettag $0x2  }
0xb5: {  	s0 =	rddreg [dreg:$0x0];
	s2 =	stileid.u32  }
0xb6: {  	s1 =	rddreg [dreg:$0x1];
	p0 =	sne.s32 s2, $0x0  }
0xb7: {  	s3 =	rddreg [dreg:$0x2];
	[bflag:$0x3] =	sbarrier.arrive $0xFFFF;
	s2 =	simm.s32 @!p0 $0x1C01  }
0xb8: {  	[timem:s3], [sflag:s2] =	dma.local @!p0 [hbm:s0], s1  }
0xb9: {  	s0 =	simm.s32 @!p0 $0x1  }
0xba: {  	_ =	swait.ge @!p0 [sflag:s0], s1  }
0xbb: {  	s1 =	ssub.s32 @!p0 $0x0, s1;
	[sflag:s0] =	ssyncset.done @!p0 $0x0  }
0xbc: {  	[sflag:s0] =	ssyncadd.s32 @!p0 s1  }
0xbd: {  	[bflag:$0x3] =	sbarrier.arrive $0xFFFF  }
0xbe: {  	_ =	shalt  }

</sc_bundles>
